<compile_context>
chip_gen: v7x
topology: tpu7x:2x2x1
jax: 0.10.2.dev20260603
libtpu: 0.0.44.dev20260713+nightly
codegen_flags: <defaults>
</compile_context>

<pallas_src>
import functools

import jax
import jax.numpy as jnp
from jax import lax
from jax.experimental import pallas as pl
from jax.experimental.pallas import tpu as pltpu
from jax.experimental.pallas import tpu_sc as plsc

N_NODES = 10000
N_EDGES = 160000
D_FEAT = 256
HALF = 128

NC = 2
NS = 16
NW = NC * NS

E_PAD = 163840
EPT = E_PAD // NS
FULL_CHUNKS = EPT // 128
DEG_CHUNKS = FULL_CHUNKS // NC
N_PAD = 10112
ROW0_STRIDE = 640
D_PAD = 10240

B_PAD = 10240
BPT = B_PAD // NW


def _seg_sum_sc(xr, idx2r, dst2r, zf, zi):
    mesh = plsc.VectorSubcoreMesh(core_axis_name="c", subcore_axis_name="s")

    @functools.partial(
        pl.kernel,
        mesh=mesh,
        out_type=jax.ShapeDtypeStruct((NC * N_PAD, HALF), jnp.float32),
        scratch_types=[
            pltpu.VMEM((FULL_CHUNKS + 8, 1, 128), jnp.int32),
            pltpu.VMEM((FULL_CHUNKS, 1, 128), jnp.int32),
            pltpu.VMEM((128, HALF), jnp.float32),
            pltpu.VMEM_SHARED((N_PAD, HALF), jnp.float32),
            pltpu.SemaphoreType.DMA,
        ],
    )
    def k(xr_h, idx2_h, dst_h, zf_h, zi_h,
          neigh_o,
          idx_a, dst_a, rows_v, acc, sem):
        c = lax.axis_index("c")
        s = lax.axis_index("s")
        row0 = pl.multiple_of(s * ROW0_STRIDE, 128)
        nck = jnp.where(s == NS - 1, 4, 5)

        pltpu.sync_copy(zf_h, rows_v)

        @pl.loop(0, nck)
        def _zero(kk):
            roff = pl.multiple_of(row0 + kk * 128, 128)
            pltpu.sync_copy(rows_v, acc.at[pl.ds(roff, 128)])

        ibase = pl.multiple_of((c * NS + s) * FULL_CHUNKS, 8)
        dbase = pl.multiple_of(s * FULL_CHUNKS, 8)
        pltpu.sync_copy(idx2_h.at[pl.ds(ibase, FULL_CHUNKS)], idx_a.at[pl.ds(0, FULL_CHUNKS)])
        pltpu.sync_copy(zi_h, idx_a.at[pl.ds(FULL_CHUNKS, 8)])
        pltpu.sync_copy(dst_h.at[pl.ds(dbase, FULL_CHUNKS)], dst_a)
        plsc.subcore_barrier()

        @pl.loop(0, FULL_CHUNKS)
        def _feat(j):
            pltpu.async_copy(xr_h.at[idx_a.at[j, 0]], rows_v, sem).wait()
            pltpu.sync_copy(rows_v, acc.at[dst_a.at[j, 0]], add=True)

        plsc.subcore_barrier()

        orow0 = pl.multiple_of(c * N_PAD + s * ROW0_STRIDE, 128)

        @pl.loop(0, nck)
        def _wb(kk):
            roff = pl.multiple_of(row0 + kk * 128, 128)
            ooff = pl.multiple_of(orow0 + kk * 128, 128)
            pltpu.sync_copy(acc.at[pl.ds(roff, 128)], rows_v)
            pltpu.sync_copy(rows_v, neigh_o.at[pl.ds(ooff, 128)])

    return k(xr, idx2r, dst2r, zf, zi)


def _deg_sc(dst2r, zd, ones_f):
    mesh = plsc.VectorSubcoreMesh(core_axis_name="c", subcore_axis_name="s")
    DCK = E_PAD // (NC * NS * 128)

    @functools.partial(
        pl.kernel,
        mesh=mesh,
        out_type=jax.ShapeDtypeStruct((NC * N_PAD, 128), jnp.float32),
        scratch_types=[
            pltpu.VMEM((DCK, 1, 128), jnp.int32),
            pltpu.VMEM((128, 128), jnp.float32),
            pltpu.VMEM((128, 128), jnp.float32),
            pltpu.VMEM_SHARED((N_PAD, 128), jnp.float32),
        ],
    )
    def k(dst_h, zd_h, ones_fh, degs_o, dst_a, ones_v, small_v, dacc):
        c = lax.axis_index("c")
        s = lax.axis_index("s")
        row0 = pl.multiple_of(s * ROW0_STRIDE, 128)
        nck = jnp.where(s == NS - 1, 4, 5)

        pltpu.sync_copy(zd_h, small_v)
        pltpu.sync_copy(ones_fh, ones_v)
        gbase = pl.multiple_of((c * NS + s) * DCK, 8)
        pltpu.sync_copy(dst_h.at[pl.ds(gbase, DCK)], dst_a)

        @pl.loop(0, nck)
        def _zero(kk):
            roff = pl.multiple_of(row0 + kk * 128, 128)
            pltpu.sync_copy(small_v, dacc.at[pl.ds(roff, 128)])

        plsc.subcore_barrier()

        @pl.loop(0, DCK)
        def _deg(j):
            pltpu.sync_copy(ones_v, dacc.at[dst_a.at[j, 0]], add=True)

        plsc.subcore_barrier()

        orow0 = pl.multiple_of(c * N_PAD + s * ROW0_STRIDE, 128)

        @pl.loop(0, nck)
        def _wb(kk):
            roff = pl.multiple_of(row0 + kk * 128, 128)
            ooff = pl.multiple_of(orow0 + kk * 128, 128)
            pltpu.sync_copy(dacc.at[pl.ds(roff, 128)], small_v)
            pltpu.sync_copy(small_v, degs_o.at[pl.ds(ooff, 128)])

    return k(dst2r, zd, ones_f)


def _gather_sc(h, nodesr):
    mesh = plsc.VectorSubcoreMesh(core_axis_name="c", subcore_axis_name="s")
    NCK = BPT // 64

    @functools.partial(
        pl.kernel,
        mesh=mesh,
        out_type=jax.ShapeDtypeStruct((B_PAD, D_FEAT), jnp.float32),
        scratch_types=[
            pltpu.VMEM((NCK, 1, 64), jnp.int32),
            pltpu.VMEM((64, D_FEAT), jnp.float32),
            pltpu.VMEM((64, D_FEAT), jnp.float32),
            pltpu.SemaphoreType.DMA,
            pltpu.SemaphoreType.DMA,
        ],
    )
    def k(h_h, nodes_h, out_o, idx_a, rows0, rows1, sem0, sem1):
        c = lax.axis_index("c")
        s = lax.axis_index("s")
        wid = s * NC + c
        base = pl.multiple_of(wid * NCK, 8)
        pltpu.sync_copy(nodes_h.at[pl.ds(base, NCK)], idx_a)

        bufs = ((rows0, sem0), (rows1, sem1))
        pltpu.async_copy(h_h.at[idx_a.at[0, 0]], rows0, sem0)
        for t in range(NCK):
            rb, sb = bufs[t % 2]
            if t + 1 < NCK:
                rn, sn = bufs[(t + 1) % 2]
                pltpu.async_copy(h_h.at[idx_a.at[t + 1, 0]], rn, sn)
            pltpu.make_async_copy(h_h.at[idx_a.at[t, 0]], rb, sb).wait()
            off = pl.multiple_of(wid * BPT + t * 64, 64)
            pltpu.sync_copy(rb, out_o.at[pl.ds(off, 64)])

    return k(h, nodesr)


def _dense_tc(x, n0, n1, d0, d1, w1t, w2at, w2bt):
    BLK = 1000
    grid = (N_NODES // BLK,)

    def mm(x_r, n0_r, n1_r, d0_r, d1_r, w1_r, w2a_r, w2b_r, o_r):
        deg = d0_r[:, 0:1] + d1_r[:, 0:1]
        inv = 1.0 / jnp.maximum(deg, 1.0)
        acc = jnp.dot(x_r[...], w1_r[...], preferred_element_type=jnp.float32)
        acc += jnp.dot(n0_r[...] * inv, w2a_r[...], preferred_element_type=jnp.float32)
        acc += jnp.dot(n1_r[...] * inv, w2b_r[...], preferred_element_type=jnp.float32)
        o_r[...] = jnp.maximum(acc, 0.0)

    return pl.pallas_call(
        mm,
        grid=grid,
        in_specs=[
            pl.BlockSpec((BLK, D_FEAT), lambda i: (i, 0)),
            pl.BlockSpec((BLK, HALF), lambda i: (i, 0)),
            pl.BlockSpec((BLK, HALF), lambda i: (i, 0)),
            pl.BlockSpec((BLK, HALF), lambda i: (i, 0)),
            pl.BlockSpec((BLK, HALF), lambda i: (i, 0)),
            pl.BlockSpec((D_FEAT, D_FEAT), lambda i: (0, 0)),
            pl.BlockSpec((HALF, D_FEAT), lambda i: (0, 0)),
            pl.BlockSpec((HALF, D_FEAT), lambda i: (0, 0)),
        ],
        out_specs=pl.BlockSpec((BLK, D_FEAT), lambda i: (i, 0)),
        out_shape=jax.ShapeDtypeStruct((N_NODES, D_FEAT), jnp.float32),
    )(x, n0, n1, d0, d1, w1t, w2at, w2bt)


def kernel(nodes, x, edge_index, W):
    src = edge_index[0]
    dst = edge_index[1]

    xr = x.reshape(N_NODES * NC, HALF)
    pad = E_PAD - N_EDGES
    srcp = jnp.concatenate([src, jnp.zeros((pad,), jnp.int32)])
    dstp = jnp.concatenate([dst, jnp.full((pad,), N_NODES, jnp.int32)])
    idx2r = jnp.concatenate([srcp * 2, srcp * 2 + 1]).reshape(-1, 1, 128)
    dst2r = dstp.reshape(-1, 1, 128)
    zf = jnp.zeros((128, HALF), jnp.float32)
    zi = jnp.zeros((8, 1, 128), jnp.int32)
    zd = jnp.zeros((128, 128), jnp.float32)
    ones_f = jnp.ones((128, 128), jnp.float32)

    neigh2 = _seg_sum_sc(xr, idx2r, dst2r, zf, zi)
    degs = _deg_sc(dst2r, zd, ones_f)

    n0 = neigh2[:N_NODES]
    n1 = neigh2[N_PAD:N_PAD + N_NODES]
    d0 = degs[:N_NODES]
    d1 = degs[N_PAD:N_PAD + N_NODES]
    w1t = W[:, :D_FEAT].T
    w2at = W[:, D_FEAT:D_FEAT + HALF].T
    w2bt = W[:, D_FEAT + HALF:].T

    h = _dense_tc(x, n0, n1, d0, d1, w1t, w2at, w2bt)

    nodesp = jnp.concatenate([nodes, jnp.zeros((B_PAD - N_NODES,), jnp.int32)])
    g = _gather_sc(h, nodesp.reshape(-1, 1, 64))
    return g[:N_NODES]

# --- scband reference (transcript-rebuilt; emitter-appended) ---
"""Pipeline reference for scband-regression-graph-sage-41283225649463 (READ-ONLY COPY).

The authoritative reference and input builder live on the scoring server;
editing this copy changes nothing except your own understanding.
"""

import jax, jax.numpy as jnp
import numpy as np

N_NODES = 10000
N_EDGES = 160000
D_FEAT = 256
EMBED_DIM = 256


def setup_inputs(seed: int = 0) -> dict:
    key = jax.random.key(seed)
    k1, k2, k3, k4 = jax.random.split(key, 4)
    x = jax.random.normal(k1, (N_NODES, D_FEAT), dtype=jnp.float32)
    edge_index = jax.random.randint(k2, (2, N_EDGES), 0, N_NODES, dtype=jnp.int32)
    nodes = jax.random.randint(k3, (N_NODES,), 0, N_NODES, dtype=jnp.int32)
    W = jax.random.normal(k4, (EMBED_DIM, 2 * D_FEAT), dtype=jnp.float32) * 0.05
    return {"nodes": nodes, "x": x, "edge_index": edge_index, "W": W}


def reference(nodes, x, edge_index, W):
    # enc(nodes): GraphSAGE mean-aggregator encoder (Hamilton et al. reference impl).
    # 1) mean-aggregate neighbor features per destination node (scatter-add + degree normalize)
    src = edge_index[0]
    dst = edge_index[1]
    gathered = jnp.take(x, src, axis=0)                       # gather [E, D]
    neigh_sum = jax.ops.segment_sum(gathered, dst, num_segments=N_NODES)
    deg = jax.ops.segment_sum(jnp.ones((N_EDGES,), jnp.float32), dst, num_segments=N_NODES)
    neigh_mean = neigh_sum / jnp.maximum(deg, 1.0)[:, None]   # [N, D]
    # 2) concat self feats with aggregated neighbor feats for the batch nodes
    self_feats = jnp.take(x, nodes, axis=0)                   # [B, D]
    neigh_feats = jnp.take(neigh_mean, nodes, axis=0)         # [B, D]
    combined = jnp.concatenate([self_feats, neigh_feats], axis=1)  # [B, 2D]
    # 3) enc returns relu(W @ combined.T) -> [embed_dim, B]
    embeds = jax.nn.relu(W @ combined.T)
    # RegressionGraphSage.forward returns embeds.t() -> [B, embed_dim]
    return embeds.T

if __name__ == "__main__":
    import jax
    _d = setup_inputs()
    print(jax.jit(kernel)(*tuple(_d.values())))

</pallas_src>

<mosaic_0001>
#map = affine_map<(d0, d1) -> (0, 0, 0)>
#map1 = affine_map<(d0, d1) -> (0, 0)>
module attributes {stable_mosaic.version = 14 : i64} {
  func.func @k(%arg0: i32, %arg1: i32, %arg2: memref<1280x1x128xi32, #tpu.memory_space<hbm>>, %arg3: memref<128x128xf32, #tpu.memory_space<hbm>>, %arg4: memref<128x128xf32, #tpu.memory_space<hbm>>, %arg5: memref<20224x128xf32, #tpu.memory_space<hbm>>, %arg6: memref<40x1x128xi32, #tpu.memory_space<vmem>>, %arg7: memref<128x128xf32, #tpu.memory_space<vmem>>, %arg8: memref<128x128xf32, #tpu.memory_space<vmem>>, %arg9: memref<10112x128xf32, #tpu.memory_space<vmem_shared>>) attributes {dimension_semantics = [#tpu.dimension_semantics<core_parallel>, #tpu.dimension_semantics<subcore_parallel>], iteration_bounds = array<i64: 2, 16>, scalar_prefetch = 0 : i64, scratch_operands = 4 : i64, tpu.core_type = #tpu.core_type<sc_vector_subcore>, window_params = [{transform_indices = #map}, {transform_indices = #map1}, {transform_indices = #map1}, {transform_indices = #map1}]} {
    %mul3A = arith.constant 640 : i32
    %mul3A_0 = arith.muli %arg1, %mul3A : i32
    %multiple_of3A = tpu.assume_multiple %mul3A_0, 128 : i32
    %eq3A = arith.constant 15 : i32
    %eq3A_1 = arith.cmpi eq, %arg1, %eq3A : i32
    %jit3A = arith.constant 4 : i32
    %jit3A_2 = arith.constant 5 : i32
    %select_n3A = arith.select %eq3A_1, %jit3A, %jit3A_2 : i32
    "tpu.region"() ({
      %run_scoped3A = tpu.sem_alloc : memref<!tpu.dma_semaphore, #tpu.memory_space<semaphore_mem>>
      tpu.enqueue_dma source(%arg3 : memref<128x128xf32, #tpu.memory_space<hbm>>) target(%arg8 : memref<128x128xf32, #tpu.memory_space<vmem>>) target_semaphore(%run_scoped3A : memref<!tpu.dma_semaphore, #tpu.memory_space<semaphore_mem>>)
      tpu.wait_dma2 semaphore(%run_scoped3A : memref<!tpu.dma_semaphore, #tpu.memory_space<semaphore_mem>>) src(%arg3 : memref<128x128xf32, #tpu.memory_space<hbm>>) dst(%arg8 : memref<128x128xf32, #tpu.memory_space<vmem>>)
      tpu.yield
    }) : () -> ()
    "tpu.region"() ({
      %run_scoped3A = tpu.sem_alloc : memref<!tpu.dma_semaphore, #tpu.memory_space<semaphore_mem>>
      tpu.enqueue_dma source(%arg4 : memref<128x128xf32, #tpu.memory_space<hbm>>) target(%arg7 : memref<128x128xf32, #tpu.memory_space<vmem>>) target_semaphore(%run_scoped3A : memref<!tpu.dma_semaphore, #tpu.memory_space<semaphore_mem>>)
      tpu.wait_dma2 semaphore(%run_scoped3A : memref<!tpu.dma_semaphore, #tpu.memory_space<semaphore_mem>>) src(%arg4 : memref<128x128xf32, #tpu.memory_space<hbm>>) dst(%arg7 : memref<128x128xf32, #tpu.memory_space<vmem>>)
      tpu.yield
    }) : () -> ()
    %mul3A_3 = arith.constant 16 : i32
    %mul3A_4 = arith.muli %arg0, %mul3A_3 : i32
    %add3A = arith.addi %mul3A_4, %arg1 : i32
    %mul3A_5 = arith.constant 40 : i32
    %mul3A_6 = arith.muli %add3A, %mul3A_5 : i32
    %multiple_of3A_7 = tpu.assume_multiple %mul3A_6, 8 : i32
    "tpu.region"() ({
      %run_scoped3A = tpu.sem_alloc : memref<!tpu.dma_semaphore, #tpu.memory_space<semaphore_mem>>
      %dma_start3A = arith.constant 0 : i32
      %dma_start3A_54 = arith.constant 0 : i32
      %dma_start3A_55 = tpu.memref_slice %arg2[%multiple_of3A_7, %dma_start3A, %dma_start3A_54] : memref<1280x1x128xi32, #tpu.memory_space<hbm>> -> memref<40x1x128xi32, #tpu.memory_space<hbm>>
      %dma_start3A_56 = arith.constant 0 : i32
      %dma_start3A_57 = arith.constant 0 : i32
      %dma_start3A_58 = tpu.memref_slice %arg2[%multiple_of3A_7, %dma_start3A_56, %dma_start3A_57] : memref<1280x1x128xi32, #tpu.memory_space<hbm>> -> memref<40x1x128xi32, #tpu.memory_space<hbm>>
      tpu.enqueue_dma source(%dma_start3A_58 : memref<40x1x128xi32, #tpu.memory_space<hbm>>) target(%arg6 : memref<40x1x128xi32, #tpu.memory_space<vmem>>) target_semaphore(%run_scoped3A : memref<!tpu.dma_semaphore, #tpu.memory_space<semaphore_mem>>)
      %dma_wait3A = arith.constant 0 : i32
      %dma_wait3A_59 = arith.constant 0 : i32
      %dma_wait3A_60 = tpu.memref_slice %arg2[%multiple_of3A_7, %dma_wait3A, %dma_wait3A_59] : memref<1280x1x128xi32, #tpu.memory_space<hbm>> -> memref<40x1x128xi32, #tpu.memory_space<hbm>>
      %dma_wait3A_61 = arith.constant 0 : i32
      %dma_wait3A_62 = arith.constant 0 : i32
      %dma_wait3A_63 = tpu.memref_slice %arg2[%multiple_of3A_7, %dma_wait3A_61, %dma_wait3A_62] : memref<1280x1x128xi32, #tpu.memory_space<hbm>> -> memref<40x1x128xi32, #tpu.memory_space<hbm>>
      tpu.wait_dma2 semaphore(%run_scoped3A : memref<!tpu.dma_semaphore, #tpu.memory_space<semaphore_mem>>) src(%dma_wait3A_63 : memref<40x1x128xi32, #tpu.memory_space<hbm>>) dst(%arg6 : memref<40x1x128xi32, #tpu.memory_space<vmem>>)
      tpu.yield
    }) : () -> ()
    %sub3A = arith.constant 0 : i32
    %sub3A_8 = arith.subi %select_n3A, %sub3A : i32
    %sub3A_9 = arith.constant 1 : i32
    %sub3A_10 = arith.constant 1 : i32
    %sub3A_11 = arith.subi %sub3A_9, %sub3A_10 : i32
    %add3A_12 = arith.addi %sub3A_8, %sub3A_11 : i32
    %div3A = arith.constant 1 : i32
    %div3A_13 = arith.divsi %add3A_12, %div3A : i32
    %while3A = arith.constant 1 : i32
    %while3A_14 = arith.constant 0 : i32
    %while3A_15 = arith.constant 0 : i32
    %while3A_16 = arith.subi %div3A_13, %while3A_15 : i32
    %while3A_17 = arith.addi %while3A_15, %while3A_16 : i32
    %while3A_18 = arith.constant 1 : i32
    %while3A_19 = arith.divsi %while3A_16, %while3A_18 : i32
    %while3A_20 = arith.muli %while3A_19, %while3A_18 : i32
    %while3A_21 = arith.addi %while3A_15, %while3A_20 : i32
    %while3A_22 = arith.constant 1 : i32
    scf.for %while3A_54 = %while3A_15 to %while3A_21 step %while3A_22  : i32 {
      %mul3A_55 = arith.muli %while3A_54, %while3A : i32
      %add3A_56 = arith.addi %while3A_14, %mul3A_55 : i32
      %mul3A_57 = arith.constant 128 : i32
      %mul3A_58 = arith.muli %add3A_56, %mul3A_57 : i32
      %add3A_59 = arith.addi %multiple_of3A, %mul3A_58 : i32
      %multiple_of3A_60 = tpu.assume_multiple %add3A_59, 128 : i32
      "tpu.region"() ({
        %run_scoped3A = tpu.sem_alloc : memref<!tpu.dma_semaphore, #tpu.memory_space<semaphore_mem>>
        %dma_start3A = arith.constant 0 : i32
        %dma_start3A_61 = tpu.memref_slice %arg9[%multiple_of3A_60, %dma_start3A] : memref<10112x128xf32, #tpu.memory_space<vmem_shared>> -> memref<128x128xf32, #tpu.memory_space<vmem_shared>>
        %dma_start3A_62 = arith.constant 0 : i32
        %dma_start3A_63 = tpu.memref_slice %arg9[%multiple_of3A_60, %dma_start3A_62] : memref<10112x128xf32, #tpu.memory_space<vmem_shared>> -> memref<128x128xf32, #tpu.memory_space<vmem_shared>>
        tpu.enqueue_dma source(%arg8 : memref<128x128xf32, #tpu.memory_space<vmem>>) target(%dma_start3A_63 : memref<128x128xf32, #tpu.memory_space<vmem_shared>>) target_semaphore(%run_scoped3A : memref<!tpu.dma_semaphore, #tpu.memory_space<semaphore_mem>>)
        %dma_wait3A = arith.constant 0 : i32
        %dma_wait3A_64 = tpu.memref_slice %arg9[%multiple_of3A_60, %dma_wait3A] : memref<10112x128xf32, #tpu.memory_space<vmem_shared>> -> memref<128x128xf32, #tpu.memory_space<vmem_shared>>
        %dma_wait3A_65 = arith.constant 0 : i32
        %dma_wait3A_66 = tpu.memref_slice %arg9[%multiple_of3A_60, %dma_wait3A_65] : memref<10112x128xf32, #tpu.memory_space<vmem_shared>> -> memref<128x128xf32, #tpu.memory_space<vmem_shared>>
        tpu.wait_dma2 semaphore(%run_scoped3A : memref<!tpu.dma_semaphore, #tpu.memory_space<semaphore_mem>>) src(%arg8 : memref<128x128xf32, #tpu.memory_space<vmem>>) dst(%dma_wait3A_66 : memref<128x128xf32, #tpu.memory_space<vmem_shared>>)
        tpu.yield
      }) : () -> ()
    }
    %while3A_23 = arith.constant 1 : i32
    scf.for %while3A_54 = %while3A_21 to %while3A_17 step %while3A_23  : i32 {
      %mul3A_55 = arith.muli %while3A_54, %while3A : i32
      %add3A_56 = arith.addi %while3A_14, %mul3A_55 : i32
      %mul3A_57 = arith.constant 128 : i32
      %mul3A_58 = arith.muli %add3A_56, %mul3A_57 : i32
      %add3A_59 = arith.addi %multiple_of3A, %mul3A_58 : i32
      %multiple_of3A_60 = tpu.assume_multiple %add3A_59, 128 : i32
      "tpu.region"() ({
        %run_scoped3A = tpu.sem_alloc : memref<!tpu.dma_semaphore, #tpu.memory_space<semaphore_mem>>
        %dma_start3A = arith.constant 0 : i32
        %dma_start3A_61 = tpu.memref_slice %arg9[%multiple_of3A_60, %dma_start3A] : memref<10112x128xf32, #tpu.memory_space<vmem_shared>> -> memref<128x128xf32, #tpu.memory_space<vmem_shared>>
        %dma_start3A_62 = arith.constant 0 : i32
        %dma_start3A_63 = tpu.memref_slice %arg9[%multiple_of3A_60, %dma_start3A_62] : memref<10112x128xf32, #tpu.memory_space<vmem_shared>> -> memref<128x128xf32, #tpu.memory_space<vmem_shared>>
        tpu.enqueue_dma source(%arg8 : memref<128x128xf32, #tpu.memory_space<vmem>>) target(%dma_start3A_63 : memref<128x128xf32, #tpu.memory_space<vmem_shared>>) target_semaphore(%run_scoped3A : memref<!tpu.dma_semaphore, #tpu.memory_space<semaphore_mem>>)
        %dma_wait3A = arith.constant 0 : i32
        %dma_wait3A_64 = tpu.memref_slice %arg9[%multiple_of3A_60, %dma_wait3A] : memref<10112x128xf32, #tpu.memory_space<vmem_shared>> -> memref<128x128xf32, #tpu.memory_space<vmem_shared>>
        %dma_wait3A_65 = arith.constant 0 : i32
        %dma_wait3A_66 = tpu.memref_slice %arg9[%multiple_of3A_60, %dma_wait3A_65] : memref<10112x128xf32, #tpu.memory_space<vmem_shared>> -> memref<128x128xf32, #tpu.memory_space<vmem_shared>>
        tpu.wait_dma2 semaphore(%run_scoped3A : memref<!tpu.dma_semaphore, #tpu.memory_space<semaphore_mem>>) src(%arg8 : memref<128x128xf32, #tpu.memory_space<vmem>>) dst(%dma_wait3A_66 : memref<128x128xf32, #tpu.memory_space<vmem_shared>>)
        tpu.yield
      }) : () -> ()
    }
    %barrier3A = arith.constant 0 : index
    tpu.barrier barrier_id(%barrier3A)
    %scan3A = arith.constant 0 : i32
    %scan3A_24 = arith.constant 40 : i32
    %scan3A_25 = arith.addi %scan3A, %scan3A_24 : i32
    %scan3A_26 = arith.constant 1 : i32
    scf.for %scan3A_54 = %scan3A to %scan3A_25 step %scan3A_26  : i32 {
      %mul3A_55 = arith.constant 1 : i32
      %mul3A_56 = arith.muli %scan3A_54, %mul3A_55 : i32
      %add3A_57 = arith.constant 0 : i32
      %add3A_58 = arith.addi %add3A_57, %mul3A_56 : i32
      %run_scoped3A = arith.constant 0 : i32
      "tpu.region"() ({
        %run_scoped3A_59 = tpu.sem_alloc : memref<!tpu.dma_semaphore, #tpu.memory_space<semaphore_mem>>
        %dma_start3A = arith.constant 0 : i32
        %dma_start3A_60 = tpu.memref_slice %arg6[%add3A_58, %run_scoped3A, %dma_start3A] : memref<40x1x128xi32, #tpu.memory_space<vmem>> -> memref<1x1x128xi32, #tpu.memory_space<vmem>>
        %dma_start3A_61 = tpu.memref_squeeze %dma_start3A_60 : memref<1x1x128xi32, #tpu.memory_space<vmem>> -> memref<128xi32, #tpu.memory_space<vmem>>
        %dma_start3A_62 = arith.constant 0 : i32
        %dma_start3A_63 = arith.constant 0 : i32
        %dma_start3A_64 = tpu.memref_slice %arg9[%dma_start3A_62, %dma_start3A_63] : memref<10112x128xf32, #tpu.memory_space<vmem_shared>> -> memref<10112x128xf32, #tpu.memory_space<vmem_shared>>
        tpu.enqueue_indirect_dma source(%arg7 : memref<128x128xf32, #tpu.memory_space<vmem>>) target(%dma_start3A_64 : memref<10112x128xf32, #tpu.memory_space<vmem_shared>>) offsets(%dma_start3A_61 : memref<128xi32, #tpu.memory_space<vmem>>) semaphore(%run_scoped3A_59 : memref<!tpu.dma_semaphore, #tpu.memory_space<semaphore_mem>>) {add = true}
        %dma_wait3A = arith.constant 0 : i32
        %dma_wait3A_65 = tpu.memref_slice %arg6[%add3A_58, %run_scoped3A, %dma_wait3A] : memref<40x1x128xi32, #tpu.memory_space<vmem>> -> memref<1x1x128xi32, #tpu.memory_space<vmem>>
        %dma_wait3A_66 = tpu.memref_squeeze %dma_wait3A_65 : memref<1x1x128xi32, #tpu.memory_space<vmem>> -> memref<128xi32, #tpu.memory_space<vmem>>
        %dma_wait3A_67 = arith.constant 0 : i32
        %dma_wait3A_68 = arith.constant 0 : i32
        %dma_wait3A_69 = tpu.memref_slice %arg9[%dma_wait3A_67, %dma_wait3A_68] : memref<10112x128xf32, #tpu.memory_space<vmem_shared>> -> memref<10112x128xf32, #tpu.memory_space<vmem_shared>>
        tpu.wait_indirect_dma semaphore(%run_scoped3A_59 : memref<!tpu.dma_semaphore, #tpu.memory_space<semaphore_mem>>) src(%arg7 : memref<128x128xf32, #tpu.memory_space<vmem>>) dst(%dma_wait3A_69 : memref<10112x128xf32, #tpu.memory_space<vmem_shared>>)
        tpu.yield
      }) : () -> ()
    }
    %scan3A_27 = arith.constant 40 : i32
    %barrier3A_28 = arith.constant 0 : index
    tpu.barrier barrier_id(%barrier3A_28)
    %mul3A_29 = arith.constant 10112 : i32
    %mul3A_30 = arith.muli %arg0, %mul3A_29 : i32
    %mul3A_31 = arith.constant 640 : i32
    %mul3A_32 = arith.muli %arg1, %mul3A_31 : i32
    %add3A_33 = arith.addi %mul3A_30, %mul3A_32 : i32
    %multiple_of3A_34 = tpu.assume_multiple %add3A_33, 128 : i32
    %sub3A_35 = arith.constant 0 : i32
    %sub3A_36 = arith.subi %select_n3A, %sub3A_35 : i32
    %sub3A_37 = arith.constant 1 : i32
    %sub3A_38 = arith.constant 1 : i32
    %sub3A_39 = arith.subi %sub3A_37, %sub3A_38 : i32
    %add3A_40 = arith.addi %sub3A_36, %sub3A_39 : i32
    %div3A_41 = arith.constant 1 : i32
    %div3A_42 = arith.divsi %add3A_40, %div3A_41 : i32
    %while3A_43 = arith.constant 1 : i32
    %while3A_44 = arith.constant 0 : i32
    %while3A_45 = arith.constant 0 : i32
    %while3A_46 = arith.subi %div3A_42, %while3A_45 : i32
    %while3A_47 = arith.addi %while3A_45, %while3A_46 : i32
    %while3A_48 = arith.constant 1 : i32
    %while3A_49 = arith.divsi %while3A_46, %while3A_48 : i32
    %while3A_50 = arith.muli %while3A_49, %while3A_48 : i32
    %while3A_51 = arith.addi %while3A_45, %while3A_50 : i32
    %while3A_52 = arith.constant 1 : i32
    scf.for %while3A_54 = %while3A_45 to %while3A_51 step %while3A_52  : i32 {
      %mul3A_55 = arith.muli %while3A_54, %while3A_43 : i32
      %add3A_56 = arith.addi %while3A_44, %mul3A_55 : i32
      %mul3A_57 = arith.constant 128 : i32
      %mul3A_58 = arith.muli %add3A_56, %mul3A_57 : i32
      %add3A_59 = arith.addi %multiple_of3A, %mul3A_58 : i32
      %multiple_of3A_60 = tpu.assume_multiple %add3A_59, 128 : i32
      %mul3A_61 = arith.constant 128 : i32
      %mul3A_62 = arith.muli %add3A_56, %mul3A_61 : i32
      %add3A_63 = arith.addi %multiple_of3A_34, %mul3A_62 : i32
      %multiple_of3A_64 = tpu.assume_multiple %add3A_63, 128 : i32
      "tpu.region"() ({
        %run_scoped3A = tpu.sem_alloc : memref<!tpu.dma_semaphore, #tpu.memory_space<semaphore_mem>>
        %dma_start3A = arith.constant 0 : i32
        %dma_start3A_65 = tpu.memref_slice %arg9[%multiple_of3A_60, %dma_start3A] : memref<10112x128xf32, #tpu.memory_space<vmem_shared>> -> memref<128x128xf32, #tpu.memory_space<vmem_shared>>
        %dma_start3A_66 = arith.constant 0 : i32
        %dma_start3A_67 = tpu.memref_slice %arg9[%multiple_of3A_60, %dma_start3A_66] : memref<10112x128xf32, #tpu.memory_space<vmem_shared>> -> memref<128x128xf32, #tpu.memory_space<vmem_shared>>
        tpu.enqueue_dma source(%dma_start3A_67 : memref<128x128xf32, #tpu.memory_space<vmem_shared>>) target(%arg8 : memref<128x128xf32, #tpu.memory_space<vmem>>) target_semaphore(%run_scoped3A : memref<!tpu.dma_semaphore, #tpu.memory_space<semaphore_mem>>)
        %dma_wait3A = arith.constant 0 : i32
        %dma_wait3A_68 = tpu.memref_slice %arg9[%multiple_of3A_60, %dma_wait3A] : memref<10112x128xf32, #tpu.memory_space<vmem_shared>> -> memref<128x128xf32, #tpu.memory_space<vmem_shared>>
        %dma_wait3A_69 = arith.constant 0 : i32
        %dma_wait3A_70 = tpu.memref_slice %arg9[%multiple_of3A_60, %dma_wait3A_69] : memref<10112x128xf32, #tpu.memory_space<vmem_shared>> -> memref<128x128xf32, #tpu.memory_space<vmem_shared>>
        tpu.wait_dma2 semaphore(%run_scoped3A : memref<!tpu.dma_semaphore, #tpu.memory_space<semaphore_mem>>) src(%dma_wait3A_70 : memref<128x128xf32, #tpu.memory_space<vmem_shared>>) dst(%arg8 : memref<128x128xf32, #tpu.memory_space<vmem>>)
        tpu.yield
      }) : () -> ()
      "tpu.region"() ({
        %run_scoped3A = tpu.sem_alloc : memref<!tpu.dma_semaphore, #tpu.memory_space<semaphore_mem>>
        %dma_start3A = arith.constant 0 : i32
        %dma_start3A_65 = tpu.memref_slice %arg5[%multiple_of3A_64, %dma_start3A] : memref<20224x128xf32, #tpu.memory_space<hbm>> -> memref<128x128xf32, #tpu.memory_space<hbm>>
        %dma_start3A_66 = arith.constant 0 : i32
        %dma_start3A_67 = tpu.memref_slice %arg5[%multiple_of3A_64, %dma_start3A_66] : memref<20224x128xf32, #tpu.memory_space<hbm>> -> memref<128x128xf32, #tpu.memory_space<hbm>>
        tpu.enqueue_dma source(%arg8 : memref<128x128xf32, #tpu.memory_space<vmem>>) target(%dma_start3A_67 : memref<128x128xf32, #tpu.memory_space<hbm>>) target_semaphore(%run_scoped3A : memref<!tpu.dma_semaphore, #tpu.memory_space<semaphore_mem>>)
        %dma_wait3A = arith.constant 0 : i32
        %dma_wait3A_68 = tpu.memref_slice %arg5[%multiple_of3A_64, %dma_wait3A] : memref<20224x128xf32, #tpu.memory_space<hbm>> -> memref<128x128xf32, #tpu.memory_space<hbm>>
        %dma_wait3A_69 = arith.constant 0 : i32
        %dma_wait3A_70 = tpu.memref_slice %arg5[%multiple_of3A_64, %dma_wait3A_69] : memref<20224x128xf32, #tpu.memory_space<hbm>> -> memref<128x128xf32, #tpu.memory_space<hbm>>
        tpu.wait_dma2 semaphore(%run_scoped3A : memref<!tpu.dma_semaphore, #tpu.memory_space<semaphore_mem>>) src(%arg8 : memref<128x128xf32, #tpu.memory_space<vmem>>) dst(%dma_wait3A_70 : memref<128x128xf32, #tpu.memory_space<hbm>>)
        tpu.yield
      }) : () -> ()
    }
    %while3A_53 = arith.constant 1 : i32
    scf.for %while3A_54 = %while3A_51 to %while3A_47 step %while3A_53  : i32 {
      %mul3A_55 = arith.muli %while3A_54, %while3A_43 : i32
      %add3A_56 = arith.addi %while3A_44, %mul3A_55 : i32
      %mul3A_57 = arith.constant 128 : i32
      %mul3A_58 = arith.muli %add3A_56, %mul3A_57 : i32
      %add3A_59 = arith.addi %multiple_of3A, %mul3A_58 : i32
      %multiple_of3A_60 = tpu.assume_multiple %add3A_59, 128 : i32
      %mul3A_61 = arith.constant 128 : i32
      %mul3A_62 = arith.muli %add3A_56, %mul3A_61 : i32
      %add3A_63 = arith.addi %multiple_of3A_34, %mul3A_62 : i32
      %multiple_of3A_64 = tpu.assume_multiple %add3A_63, 128 : i32
      "tpu.region"() ({
        %run_scoped3A = tpu.sem_alloc : memref<!tpu.dma_semaphore, #tpu.memory_space<semaphore_mem>>
        %dma_start3A = arith.constant 0 : i32
        %dma_start3A_65 = tpu.memref_slice %arg9[%multiple_of3A_60, %dma_start3A] : memref<10112x128xf32, #tpu.memory_space<vmem_shared>> -> memref<128x128xf32, #tpu.memory_space<vmem_shared>>
        %dma_start3A_66 = arith.constant 0 : i32
        %dma_start3A_67 = tpu.memref_slice %arg9[%multiple_of3A_60, %dma_start3A_66] : memref<10112x128xf32, #tpu.memory_space<vmem_shared>> -> memref<128x128xf32, #tpu.memory_space<vmem_shared>>
        tpu.enqueue_dma source(%dma_start3A_67 : memref<128x128xf32, #tpu.memory_space<vmem_shared>>) target(%arg8 : memref<128x128xf32, #tpu.memory_space<vmem>>) target_semaphore(%run_scoped3A : memref<!tpu.dma_semaphore, #tpu.memory_space<semaphore_mem>>)
        %dma_wait3A = arith.constant 0 : i32
        %dma_wait3A_68 = tpu.memref_slice %arg9[%multiple_of3A_60, %dma_wait3A] : memref<10112x128xf32, #tpu.memory_space<vmem_shared>> -> memref<128x128xf32, #tpu.memory_space<vmem_shared>>
        %dma_wait3A_69 = arith.constant 0 : i32
        %dma_wait3A_70 = tpu.memref_slice %arg9[%multiple_of3A_60, %dma_wait3A_69] : memref<10112x128xf32, #tpu.memory_space<vmem_shared>> -> memref<128x128xf32, #tpu.memory_space<vmem_shared>>
        tpu.wait_dma2 semaphore(%run_scoped3A : memref<!tpu.dma_semaphore, #tpu.memory_space<semaphore_mem>>) src(%dma_wait3A_70 : memref<128x128xf32, #tpu.memory_space<vmem_shared>>) dst(%arg8 : memref<128x128xf32, #tpu.memory_space<vmem>>)
        tpu.yield
      }) : () -> ()
      "tpu.region"() ({
        %run_scoped3A = tpu.sem_alloc : memref<!tpu.dma_semaphore, #tpu.memory_space<semaphore_mem>>
        %dma_start3A = arith.constant 0 : i32
        %dma_start3A_65 = tpu.memref_slice %arg5[%multiple_of3A_64, %dma_start3A] : memref<20224x128xf32, #tpu.memory_space<hbm>> -> memref<128x128xf32, #tpu.memory_space<hbm>>
        %dma_start3A_66 = arith.constant 0 : i32
        %dma_start3A_67 = tpu.memref_slice %arg5[%multiple_of3A_64, %dma_start3A_66] : memref<20224x128xf32, #tpu.memory_space<hbm>> -> memref<128x128xf32, #tpu.memory_space<hbm>>
        tpu.enqueue_dma source(%arg8 : memref<128x128xf32, #tpu.memory_space<vmem>>) target(%dma_start3A_67 : memref<128x128xf32, #tpu.memory_space<hbm>>) target_semaphore(%run_scoped3A : memref<!tpu.dma_semaphore, #tpu.memory_space<semaphore_mem>>)
        %dma_wait3A = arith.constant 0 : i32
        %dma_wait3A_68 = tpu.memref_slice %arg5[%multiple_of3A_64, %dma_wait3A] : memref<20224x128xf32, #tpu.memory_space<hbm>> -> memref<128x128xf32, #tpu.memory_space<hbm>>
        %dma_wait3A_69 = arith.constant 0 : i32
        %dma_wait3A_70 = tpu.memref_slice %arg5[%multiple_of3A_64, %dma_wait3A_69] : memref<20224x128xf32, #tpu.memory_space<hbm>> -> memref<128x128xf32, #tpu.memory_space<hbm>>
        tpu.wait_dma2 semaphore(%run_scoped3A : memref<!tpu.dma_semaphore, #tpu.memory_space<semaphore_mem>>) src(%arg8 : memref<128x128xf32, #tpu.memory_space<vmem>>) dst(%dma_wait3A_70 : memref<128x128xf32, #tpu.memory_space<hbm>>)
        tpu.yield
      }) : () -> ()
    }
    return
  }
}

#map = affine_map<(d0, d1) -> (0, 0)>
#map1 = affine_map<(d0, d1) -> (0, 0, 0)>
module attributes {stable_mosaic.version = 14 : i64} {
  func.func @k(%arg0: i32, %arg1: i32, %arg2: memref<20000x128xf32, #tpu.memory_space<hbm>>, %arg3: memref<2560x1x128xi32, #tpu.memory_space<hbm>>, %arg4: memref<1280x1x128xi32, #tpu.memory_space<hbm>>, %arg5: memref<128x128xf32, #tpu.memory_space<hbm>>, %arg6: memref<8x1x128xi32, #tpu.memory_space<hbm>>, %arg7: memref<20224x128xf32, #tpu.memory_space<hbm>>, %arg8: memref<88x1x128xi32, #tpu.memory_space<vmem>>, %arg9: memref<80x1x128xi32, #tpu.memory_space<vmem>>, %arg10: memref<128x128xf32, #tpu.memory_space<vmem>>, %arg11: memref<10112x128xf32, #tpu.memory_space<vmem_shared>>, %arg12: memref<!tpu.dma_semaphore, #tpu.memory_space<semaphore_mem>>) attributes {dimension_semantics = [#tpu.dimension_semantics<core_parallel>, #tpu.dimension_semantics<subcore_parallel>], iteration_bounds = array<i64: 2, 16>, scalar_prefetch = 0 : i64, scratch_operands = 5 : i64, tpu.core_type = #tpu.core_type<sc_vector_subcore>, window_params = [{transform_indices = #map}, {transform_indices = #map1}, {transform_indices = #map1}, {transform_indices = #map}, {transform_indices = #map1}, {transform_indices = #map}]} {
    %mul3A = arith.constant 640 : i32
    %mul3A_0 = arith.muli %arg1, %mul3A : i32
    %multiple_of3A = tpu.assume_multiple %mul3A_0, 128 : i32
    %eq3A = arith.constant 15 : i32
    %eq3A_1 = arith.cmpi eq, %arg1, %eq3A : i32
    %jit3A = arith.constant 4 : i32
    %jit3A_2 = arith.constant 5 : i32
    %select_n3A = arith.select %eq3A_1, %jit3A, %jit3A_2 : i32
    "tpu.region"() ({
      %run_scoped3A = tpu.sem_alloc : memref<!tpu.dma_semaphore, #tpu.memory_space<semaphore_mem>>
      tpu.enqueue_dma source(%arg5 : memref<128x128xf32, #tpu.memory_space<hbm>>) target(%arg10 : memref<128x128xf32, #tpu.memory_space<vmem>>) target_semaphore(%run_scoped3A : memref<!tpu.dma_semaphore, #tpu.memory_space<semaphore_mem>>)
      tpu.wait_dma2 semaphore(%run_scoped3A : memref<!tpu.dma_semaphore, #tpu.memory_space<semaphore_mem>>) src(%arg5 : memref<128x128xf32, #tpu.memory_space<hbm>>) dst(%arg10 : memref<128x128xf32, #tpu.memory_space<vmem>>)
      tpu.yield
    }) : () -> ()
    %sub3A = arith.constant 0 : i32
    %sub3A_3 = arith.subi %select_n3A, %sub3A : i32
    %sub3A_4 = arith.constant 1 : i32
    %sub3A_5 = arith.constant 1 : i32
    %sub3A_6 = arith.subi %sub3A_4, %sub3A_5 : i32
    %add3A = arith.addi %sub3A_3, %sub3A_6 : i32
    %div3A = arith.constant 1 : i32
    %div3A_7 = arith.divsi %add3A, %div3A : i32
    %while3A = arith.constant 1 : i32
    %while3A_8 = arith.constant 0 : i32
    %while3A_9 = arith.constant 0 : i32
    %while3A_10 = arith.subi %div3A_7, %while3A_9 : i32
    %while3A_11 = arith.addi %while3A_9, %while3A_10 : i32
    %while3A_12 = arith.constant 1 : i32
    %while3A_13 = arith.divsi %while3A_10, %while3A_12 : i32
    %while3A_14 = arith.muli %while3A_13, %while3A_12 : i32
    %while3A_15 = arith.addi %while3A_9, %while3A_14 : i32
    %while3A_16 = arith.constant 1 : i32
    scf.for %while3A_57 = %while3A_9 to %while3A_15 step %while3A_16  : i32 {
      %mul3A_58 = arith.muli %while3A_57, %while3A : i32
      %add3A_59 = arith.addi %while3A_8, %mul3A_58 : i32
      %mul3A_60 = arith.constant 128 : i32
      %mul3A_61 = arith.muli %add3A_59, %mul3A_60 : i32
      %add3A_62 = arith.addi %multiple_of3A, %mul3A_61 : i32
      %multiple_of3A_63 = tpu.assume_multiple %add3A_62, 128 : i32
      "tpu.region"() ({
        %run_scoped3A = tpu.sem_alloc : memref<!tpu.dma_semaphore, #tpu.memory_space<semaphore_mem>>
        %dma_start3A = arith.constant 0 : i32
        %dma_start3A_64 = tpu.memref_slice %arg11[%multiple_of3A_63, %dma_start3A] : memref<10112x128xf32, #tpu.memory_space<vmem_shared>> -> memref<128x128xf32, #tpu.memory_space<vmem_shared>>
        %dma_start3A_65 = arith.constant 0 : i32
        %dma_start3A_66 = tpu.memref_slice %arg11[%multiple_of3A_63, %dma_start3A_65] : memref<10112x128xf32, #tpu.memory_space<vmem_shared>> -> memref<128x128xf32, #tpu.memory_space<vmem_shared>>
        tpu.enqueue_dma source(%arg10 : memref<128x128xf32, #tpu.memory_space<vmem>>) target(%dma_start3A_66 : memref<128x128xf32, #tpu.memory_space<vmem_shared>>) target_semaphore(%run_scoped3A : memref<!tpu.dma_semaphore, #tpu.memory_space<semaphore_mem>>)
        %dma_wait3A = arith.constant 0 : i32
        %dma_wait3A_67 = tpu.memref_slice %arg11[%multiple_of3A_63, %dma_wait3A] : memref<10112x128xf32, #tpu.memory_space<vmem_shared>> -> memref<128x128xf32, #tpu.memory_space<vmem_shared>>
        %dma_wait3A_68 = arith.constant 0 : i32
        %dma_wait3A_69 = tpu.memref_slice %arg11[%multiple_of3A_63, %dma_wait3A_68] : memref<10112x128xf32, #tpu.memory_space<vmem_shared>> -> memref<128x128xf32, #tpu.memory_space<vmem_shared>>
        tpu.wait_dma2 semaphore(%run_scoped3A : memref<!tpu.dma_semaphore, #tpu.memory_space<semaphore_mem>>) src(%arg10 : memref<128x128xf32, #tpu.memory_space<vmem>>) dst(%dma_wait3A_69 : memref<128x128xf32, #tpu.memory_space<vmem_shared>>)
        tpu.yield
      }) : () -> ()
    }
    %while3A_17 = arith.constant 1 : i32
    scf.for %while3A_57 = %while3A_15 to %while3A_11 step %while3A_17  : i32 {
      %mul3A_58 = arith.muli %while3A_57, %while3A : i32
      %add3A_59 = arith.addi %while3A_8, %mul3A_58 : i32
      %mul3A_60 = arith.constant 128 : i32
      %mul3A_61 = arith.muli %add3A_59, %mul3A_60 : i32
      %add3A_62 = arith.addi %multiple_of3A, %mul3A_61 : i32
      %multiple_of3A_63 = tpu.assume_multiple %add3A_62, 128 : i32
      "tpu.region"() ({
        %run_scoped3A = tpu.sem_alloc : memref<!tpu.dma_semaphore, #tpu.memory_space<semaphore_mem>>
        %dma_start3A = arith.constant 0 : i32
        %dma_start3A_64 = tpu.memref_slice %arg11[%multiple_of3A_63, %dma_start3A] : memref<10112x128xf32, #tpu.memory_space<vmem_shared>> -> memref<128x128xf32, #tpu.memory_space<vmem_shared>>
        %dma_start3A_65 = arith.constant 0 : i32
        %dma_start3A_66 = tpu.memref_slice %arg11[%multiple_of3A_63, %dma_start3A_65] : memref<10112x128xf32, #tpu.memory_space<vmem_shared>> -> memref<128x128xf32, #tpu.memory_space<vmem_shared>>
        tpu.enqueue_dma source(%arg10 : memref<128x128xf32, #tpu.memory_space<vmem>>) target(%dma_start3A_66 : memref<128x128xf32, #tpu.memory_space<vmem_shared>>) target_semaphore(%run_scoped3A : memref<!tpu.dma_semaphore, #tpu.memory_space<semaphore_mem>>)
        %dma_wait3A = arith.constant 0 : i32
        %dma_wait3A_67 = tpu.memref_slice %arg11[%multiple_of3A_63, %dma_wait3A] : memref<10112x128xf32, #tpu.memory_space<vmem_shared>> -> memref<128x128xf32, #tpu.memory_space<vmem_shared>>
        %dma_wait3A_68 = arith.constant 0 : i32
        %dma_wait3A_69 = tpu.memref_slice %arg11[%multiple_of3A_63, %dma_wait3A_68] : memref<10112x128xf32, #tpu.memory_space<vmem_shared>> -> memref<128x128xf32, #tpu.memory_space<vmem_shared>>
        tpu.wait_dma2 semaphore(%run_scoped3A : memref<!tpu.dma_semaphore, #tpu.memory_space<semaphore_mem>>) src(%arg10 : memref<128x128xf32, #tpu.memory_space<vmem>>) dst(%dma_wait3A_69 : memref<128x128xf32, #tpu.memory_space<vmem_shared>>)
        tpu.yield
      }) : () -> ()
    }
    %mul3A_18 = arith.constant 16 : i32
    %mul3A_19 = arith.muli %arg0, %mul3A_18 : i32
    %add3A_20 = arith.addi %mul3A_19, %arg1 : i32
    %mul3A_21 = arith.constant 80 : i32
    %mul3A_22 = arith.muli %add3A_20, %mul3A_21 : i32
    %multiple_of3A_23 = tpu.assume_multiple %mul3A_22, 8 : i32
    %mul3A_24 = arith.constant 80 : i32
    %mul3A_25 = arith.muli %arg1, %mul3A_24 : i32
    %multiple_of3A_26 = tpu.assume_multiple %mul3A_25, 8 : i32
    "tpu.region"() ({
      %run_scoped3A = tpu.sem_alloc : memref<!tpu.dma_semaphore, #tpu.memory_space<semaphore_mem>>
      %dma_start3A = arith.constant 0 : i32
      %dma_start3A_57 = arith.constant 0 : i32
      %dma_start3A_58 = arith.constant 0 : i32
      %dma_start3A_59 = tpu.memref_slice %arg8[%dma_start3A, %dma_start3A_57, %dma_start3A_58] : memref<88x1x128xi32, #tpu.memory_space<vmem>> -> memref<80x1x128xi32, #tpu.memory_space<vmem>>
      %dma_start3A_60 = arith.constant 0 : i32
      %dma_start3A_61 = arith.constant 0 : i32
      %dma_start3A_62 = tpu.memref_slice %arg3[%multiple_of3A_23, %dma_start3A_60, %dma_start3A_61] : memref<2560x1x128xi32, #tpu.memory_space<hbm>> -> memref<80x1x128xi32, #tpu.memory_space<hbm>>
      %dma_start3A_63 = arith.constant 0 : i32
      %dma_start3A_64 = arith.constant 0 : i32
      %dma_start3A_65 = arith.constant 0 : i32
      %dma_start3A_66 = tpu.memref_slice %arg8[%dma_start3A_63, %dma_start3A_64, %dma_start3A_65] : memref<88x1x128xi32, #tpu.memory_space<vmem>> -> memref<80x1x128xi32, #tpu.memory_space<vmem>>
      %dma_start3A_67 = arith.constant 0 : i32
      %dma_start3A_68 = arith.constant 0 : i32
      %dma_start3A_69 = tpu.memref_slice %arg3[%multiple_of3A_23, %dma_start3A_67, %dma_start3A_68] : memref<2560x1x128xi32, #tpu.memory_space<hbm>> -> memref<80x1x128xi32, #tpu.memory_space<hbm>>
      tpu.enqueue_dma source(%dma_start3A_69 : memref<80x1x128xi32, #tpu.memory_space<hbm>>) target(%dma_start3A_66 : memref<80x1x128xi32, #tpu.memory_space<vmem>>) target_semaphore(%run_scoped3A : memref<!tpu.dma_semaphore, #tpu.memory_space<semaphore_mem>>)
      %dma_wait3A = arith.constant 0 : i32
      %dma_wait3A_70 = arith.constant 0 : i32
      %dma_wait3A_71 = arith.constant 0 : i32
      %dma_wait3A_72 = tpu.memref_slice %arg8[%dma_wait3A, %dma_wait3A_70, %dma_wait3A_71] : memref<88x1x128xi32, #tpu.memory_space<vmem>> -> memref<80x1x128xi32, #tpu.memory_space<vmem>>
      %dma_wait3A_73 = arith.constant 0 : i32
      %dma_wait3A_74 = arith.constant 0 : i32
      %dma_wait3A_75 = tpu.memref_slice %arg3[%multiple_of3A_23, %dma_wait3A_73, %dma_wait3A_74] : memref<2560x1x128xi32, #tpu.memory_space<hbm>> -> memref<80x1x128xi32, #tpu.memory_space<hbm>>
      %dma_wait3A_76 = arith.constant 0 : i32
      %dma_wait3A_77 = arith.constant 0 : i32
      %dma_wait3A_78 = arith.constant 0 : i32
      %dma_wait3A_79 = tpu.memref_slice %arg8[%dma_wait3A_76, %dma_wait3A_77, %dma_wait3A_78] : memref<88x1x128xi32, #tpu.memory_space<vmem>> -> memref<80x1x128xi32, #tpu.memory_space<vmem>>
      %dma_wait3A_80 = arith.constant 0 : i32
      %dma_wait3A_81 = arith.constant 0 : i32
      %dma_wait3A_82 = tpu.memref_slice %arg3[%multiple_of3A_23, %dma_wait3A_80, %dma_wait3A_81] : memref<2560x1x128xi32, #tpu.memory_space<hbm>> -> memref<80x1x128xi32, #tpu.memory_space<hbm>>
      tpu.wait_dma2 semaphore(%run_scoped3A : memref<!tpu.dma_semaphore, #tpu.memory_space<semaphore_mem>>) src(%dma_wait3A_82 : memref<80x1x128xi32, #tpu.memory_space<hbm>>) dst(%dma_wait3A_79 : memref<80x1x128xi32, #tpu.memory_space<vmem>>)
      tpu.yield
    }) : () -> ()
    "tpu.region"() ({
      %run_scoped3A = tpu.sem_alloc : memref<!tpu.dma_semaphore, #tpu.memory_space<semaphore_mem>>
      %dma_start3A = arith.constant 80 : i32
      %dma_start3A_57 = arith.constant 0 : i32
      %dma_start3A_58 = arith.constant 0 : i32
      %dma_start3A_59 = tpu.memref_slice %arg8[%dma_start3A, %dma_start3A_57, %dma_start3A_58] : memref<88x1x128xi32, #tpu.memory_space<vmem>> -> memref<8x1x128xi32, #tpu.memory_space<vmem>>
      %dma_start3A_60 = arith.constant 80 : i32
      %dma_start3A_61 = arith.constant 0 : i32
      %dma_start3A_62 = arith.constant 0 : i32
      %dma_start3A_63 = tpu.memref_slice %arg8[%dma_start3A_60, %dma_start3A_61, %dma_start3A_62] : memref<88x1x128xi32, #tpu.memory_space<vmem>> -> memref<8x1x128xi32, #tpu.memory_space<vmem>>
      tpu.enqueue_dma source(%arg6 : memref<8x1x128xi32, #tpu.memory_space<hbm>>) target(%dma_start3A_63 : memref<8x1x128xi32, #tpu.memory_space<vmem>>) target_semaphore(%run_scoped3A : memref<!tpu.dma_semaphore, #tpu.memory_space<semaphore_mem>>)
      %dma_wait3A = arith.constant 80 : i32
      %dma_wait3A_64 = arith.constant 0 : i32
      %dma_wait3A_65 = arith.constant 0 : i32
      %dma_wait3A_66 = tpu.memref_slice %arg8[%dma_wait3A, %dma_wait3A_64, %dma_wait3A_65] : memref<88x1x128xi32, #tpu.memory_space<vmem>> -> memref<8x1x128xi32, #tpu.memory_space<vmem>>
      %dma_wait3A_67 = arith.constant 80 : i32
      %dma_wait3A_68 = arith.constant 0 : i32
      %dma_wait3A_69 = arith.constant 0 : i32
      %dma_wait3A_70 = tpu.memref_slice %arg8[%dma_wait3A_67, %dma_wait3A_68, %dma_wait3A_69] : memref<88x1x128xi32, #tpu.memory_space<vmem>> -> memref<8x1x128xi32, #tpu.memory_space<vmem>>
      tpu.wait_dma2 semaphore(%run_scoped3A : memref<!tpu.dma_semaphore, #tpu.memory_space<semaphore_mem>>) src(%arg6 : memref<8x1x128xi32, #tpu.memory_space<hbm>>) dst(%dma_wait3A_70 : memref<8x1x128xi32, #tpu.memory_space<vmem>>)
      tpu.yield
    }) : () -> ()
    "tpu.region"() ({
      %run_scoped3A = tpu.sem_alloc : memref<!tpu.dma_semaphore, #tpu.memory_space<semaphore_mem>>
      %dma_start3A = arith.constant 0 : i32
      %dma_start3A_57 = arith.constant 0 : i32
      %dma_start3A_58 = tpu.memref_slice %arg4[%multiple_of3A_26, %dma_start3A, %dma_start3A_57] : memref<1280x1x128xi32, #tpu.memory_space<hbm>> -> memref<80x1x128xi32, #tpu.memory_space<hbm>>
      %dma_start3A_59 = arith.constant 0 : i32
      %dma_start3A_60 = arith.constant 0 : i32
      %dma_start3A_61 = tpu.memref_slice %arg4[%multiple_of3A_26, %dma_start3A_59, %dma_start3A_60] : memref<1280x1x128xi32, #tpu.memory_space<hbm>> -> memref<80x1x128xi32, #tpu.memory_space<hbm>>
      tpu.enqueue_dma source(%dma_start3A_61 : memref<80x1x128xi32, #tpu.memory_space<hbm>>) target(%arg9 : memref<80x1x128xi32, #tpu.memory_space<vmem>>) target_semaphore(%run_scoped3A : memref<!tpu.dma_semaphore, #tpu.memory_space<semaphore_mem>>)
      %dma_wait3A = arith.constant 0 : i32
      %dma_wait3A_62 = arith.constant 0 : i32
      %dma_wait3A_63 = tpu.memref_slice %arg4[%multiple_of3A_26, %dma_wait3A, %dma_wait3A_62] : memref<1280x1x128xi32, #tpu.memory_space<hbm>> -> memref<80x1x128xi32, #tpu.memory_space<hbm>>
      %dma_wait3A_64 = arith.constant 0 : i32
      %dma_wait3A_65 = arith.constant 0 : i32
      %dma_wait3A_66 = tpu.memref_slice %arg4[%multiple_of3A_26, %dma_wait3A_64, %dma_wait3A_65] : memref<1280x1x128xi32, #tpu.memory_space<hbm>> -> memref<80x1x128xi32, #tpu.memory_space<hbm>>
      tpu.wait_dma2 semaphore(%run_scoped3A : memref<!tpu.dma_semaphore, #tpu.memory_space<semaphore_mem>>) src(%dma_wait3A_66 : memref<80x1x128xi32, #tpu.memory_space<hbm>>) dst(%arg9 : memref<80x1x128xi32, #tpu.memory_space<vmem>>)
      tpu.yield
    }) : () -> ()
    %barrier3A = arith.constant 0 : index
    tpu.barrier barrier_id(%barrier3A)
    %scan3A = arith.constant 0 : i32
    %scan3A_27 = arith.constant 80 : i32
    %scan3A_28 = arith.addi %scan3A, %scan3A_27 : i32
    %scan3A_29 = arith.constant 1 : i32
    scf.for %scan3A_57 = %scan3A to %scan3A_28 step %scan3A_29  : i32 {
      %mul3A_58 = arith.constant 1 : i32
      %mul3A_59 = arith.muli %scan3A_57, %mul3A_58 : i32
      %add3A_60 = arith.constant 0 : i32
      %add3A_61 = arith.addi %add3A_60, %mul3A_59 : i32
      %dma_start3A = arith.constant 0 : i32
      %dma_start3A_62 = arith.constant 0 : i32
      %dma_start3A_63 = tpu.memref_slice %arg8[%add3A_61, %dma_start3A, %dma_start3A_62] : memref<88x1x128xi32, #tpu.memory_space<vmem>> -> memref<1x1x128xi32, #tpu.memory_space<vmem>>
      %dma_start3A_64 = tpu.memref_squeeze %dma_start3A_63 : memref<1x1x128xi32, #tpu.memory_space<vmem>> -> memref<128xi32, #tpu.memory_space<vmem>>
      %dma_start3A_65 = arith.constant 0 : i32
      %dma_start3A_66 = arith.constant 0 : i32
      %dma_start3A_67 = tpu.memref_slice %arg2[%dma_start3A_65, %dma_start3A_66] : memref<20000x128xf32, #tpu.memory_space<hbm>> -> memref<20000x128xf32, #tpu.memory_space<hbm>>
      tpu.enqueue_indirect_dma source(%dma_start3A_67 : memref<20000x128xf32, #tpu.memory_space<hbm>>) target(%arg10 : memref<128x128xf32, #tpu.memory_space<vmem>>) offsets(%dma_start3A_64 : memref<128xi32, #tpu.memory_space<vmem>>) semaphore(%arg12 : memref<!tpu.dma_semaphore, #tpu.memory_space<semaphore_mem>>)
      %dma_wait3A = arith.constant 0 : i32
      %dma_wait3A_68 = arith.constant 0 : i32
      %dma_wait3A_69 = tpu.memref_slice %arg8[%add3A_61, %dma_wait3A, %dma_wait3A_68] : memref<88x1x128xi32, #tpu.memory_space<vmem>> -> memref<1x1x128xi32, #tpu.memory_space<vmem>>
      %dma_wait3A_70 = tpu.memref_squeeze %dma_wait3A_69 : memref<1x1x128xi32, #tpu.memory_space<vmem>> -> memref<128xi32, #tpu.memory_space<vmem>>
      %dma_wait3A_71 = arith.constant 0 : i32
      %dma_wait3A_72 = arith.constant 0 : i32
      %dma_wait3A_73 = tpu.memref_slice %arg2[%dma_wait3A_71, %dma_wait3A_72] : memref<20000x128xf32, #tpu.memory_space<hbm>> -> memref<20000x128xf32, #tpu.memory_space<hbm>>
      tpu.wait_indirect_dma semaphore(%arg12 : memref<!tpu.dma_semaphore, #tpu.memory_space<semaphore_mem>>) src(%dma_wait3A_73 : memref<20000x128xf32, #tpu.memory_space<hbm>>) dst(%arg10 : memref<128x128xf32, #tpu.memory_space<vmem>>)
      %run_scoped3A = arith.constant 0 : i32
      "tpu.region"() ({
        %run_scoped3A_74 = tpu.sem_alloc : memref<!tpu.dma_semaphore, #tpu.memory_space<semaphore_mem>>
        %dma_start3A_75 = arith.constant 0 : i32
        %dma_start3A_76 = tpu.memref_slice %arg9[%add3A_61, %run_scoped3A, %dma_start3A_75] : memref<80x1x128xi32, #tpu.memory_space<vmem>> -> memref<1x1x128xi32, #tpu.memory_space<vmem>>
        %dma_start3A_77 = tpu.memref_squeeze %dma_start3A_76 : memref<1x1x128xi32, #tpu.memory_space<vmem>> -> memref<128xi32, #tpu.memory_space<vmem>>
        %dma_start3A_78 = arith.constant 0 : i32
        %dma_start3A_79 = arith.constant 0 : i32
        %dma_start3A_80 = tpu.memref_slice %arg11[%dma_start3A_78, %dma_start3A_79] : memref<10112x128xf32, #tpu.memory_space<vmem_shared>> -> memref<10112x128xf32, #tpu.memory_space<vmem_shared>>
        tpu.enqueue_indirect_dma source(%arg10 : memref<128x128xf32, #tpu.memory_space<vmem>>) target(%dma_start3A_80 : memref<10112x128xf32, #tpu.memory_space<vmem_shared>>) offsets(%dma_start3A_77 : memref<128xi32, #tpu.memory_space<vmem>>) semaphore(%run_scoped3A_74 : memref<!tpu.dma_semaphore, #tpu.memory_space<semaphore_mem>>) {add = true}
        %dma_wait3A_81 = arith.constant 0 : i32
        %dma_wait3A_82 = tpu.memref_slice %arg9[%add3A_61, %run_scoped3A, %dma_wait3A_81] : memref<80x1x128xi32, #tpu.memory_space<vmem>> -> memref<1x1x128xi32, #tpu.memory_space<vmem>>
        %dma_wait3A_83 = tpu.memref_squeeze %dma_wait3A_82 : memref<1x1x128xi32, #tpu.memory_space<vmem>> -> memref<128xi32, #tpu.memory_space<vmem>>
        %dma_wait3A_84 = arith.constant 0 : i32
        %dma_wait3A_85 = arith.constant 0 : i32
        %dma_wait3A_86 = tpu.memref_slice %arg11[%dma_wait3A_84, %dma_wait3A_85] : memref<10112x128xf32, #tpu.memory_space<vmem_shared>> -> memref<10112x128xf32, #tpu.memory_space<vmem_shared>>
        tpu.wait_indirect_dma semaphore(%run_scoped3A_74 : memref<!tpu.dma_semaphore, #tpu.memory_space<semaphore_mem>>) src(%arg10 : memref<128x128xf32, #tpu.memory_space<vmem>>) dst(%dma_wait3A_86 : memref<10112x128xf32, #tpu.memory_space<vmem_shared>>)
        tpu.yield
      }) : () -> ()
    }
    %scan3A_30 = arith.constant 80 : i32
    %barrier3A_31 = arith.constant 0 : index
    tpu.barrier barrier_id(%barrier3A_31)
    %mul3A_32 = arith.constant 10112 : i32
    %mul3A_33 = arith.muli %arg0, %mul3A_32 : i32
    %mul3A_34 = arith.constant 640 : i32
    %mul3A_35 = arith.muli %arg1, %mul3A_34 : i32
    %add3A_36 = arith.addi %mul3A_33, %mul3A_35 : i32
    %multiple_of3A_37 = tpu.assume_multiple %add3A_36, 128 : i32
    %sub3A_38 = arith.constant 0 : i32
    %sub3A_39 = arith.subi %select_n3A, %sub3A_38 : i32
    %sub3A_40 = arith.constant 1 : i32
    %sub3A_41 = arith.constant 1 : i32
    %sub3A_42 = arith.subi %sub3A_40, %sub3A_41 : i32
    %add3A_43 = arith.addi %sub3A_39, %sub3A_42 : i32
    %div3A_44 = arith.constant 1 : i32
    %div3A_45 = arith.divsi %add3A_43, %div3A_44 : i32
    %while3A_46 = arith.constant 1 : i32
    %while3A_47 = arith.constant 0 : i32
    %while3A_48 = arith.constant 0 : i32
    %while3A_49 = arith.subi %div3A_45, %while3A_48 : i32
    %while3A_50 = arith.addi %while3A_48, %while3A_49 : i32
    %while3A_51 = arith.constant 1 : i32
    %while3A_52 = arith.divsi %while3A_49, %while3A_51 : i32
    %while3A_53 = arith.muli %while3A_52, %while3A_51 : i32
    %while3A_54 = arith.addi %while3A_48, %while3A_53 : i32
    %while3A_55 = arith.constant 1 : i32
    scf.for %while3A_57 = %while3A_48 to %while3A_54 step %while3A_55  : i32 {
      %mul3A_58 = arith.muli %while3A_57, %while3A_46 : i32
      %add3A_59 = arith.addi %while3A_47, %mul3A_58 : i32
      %mul3A_60 = arith.constant 128 : i32
      %mul3A_61 = arith.muli %add3A_59, %mul3A_60 : i32
      %add3A_62 = arith.addi %multiple_of3A, %mul3A_61 : i32
      %multiple_of3A_63 = tpu.assume_multiple %add3A_62, 128 : i32
      %mul3A_64 = arith.constant 128 : i32
      %mul3A_65 = arith.muli %add3A_59, %mul3A_64 : i32
      %add3A_66 = arith.addi %multiple_of3A_37, %mul3A_65 : i32
      %multiple_of3A_67 = tpu.assume_multiple %add3A_66, 128 : i32
      "tpu.region"() ({
        %run_scoped3A = tpu.sem_alloc : memref<!tpu.dma_semaphore, #tpu.memory_space<semaphore_mem>>
        %dma_start3A = arith.constant 0 : i32
        %dma_start3A_68 = tpu.memref_slice %arg11[%multiple_of3A_63, %dma_start3A] : memref<10112x128xf32, #tpu.memory_space<vmem_shared>> -> memref<128x128xf32, #tpu.memory_space<vmem_shared>>
        %dma_start3A_69 = arith.constant 0 : i32
        %dma_start3A_70 = tpu.memref_slice %arg11[%multiple_of3A_63, %dma_start3A_69] : memref<10112x128xf32, #tpu.memory_space<vmem_shared>> -> memref<128x128xf32, #tpu.memory_space<vmem_shared>>
        tpu.enqueue_dma source(%dma_start3A_70 : memref<128x128xf32, #tpu.memory_space<vmem_shared>>) target(%arg10 : memref<128x128xf32, #tpu.memory_space<vmem>>) target_semaphore(%run_scoped3A : memref<!tpu.dma_semaphore, #tpu.memory_space<semaphore_mem>>)
        %dma_wait3A = arith.constant 0 : i32
        %dma_wait3A_71 = tpu.memref_slice %arg11[%multiple_of3A_63, %dma_wait3A] : memref<10112x128xf32, #tpu.memory_space<vmem_shared>> -> memref<128x128xf32, #tpu.memory_space<vmem_shared>>
        %dma_wait3A_72 = arith.constant 0 : i32
        %dma_wait3A_73 = tpu.memref_slice %arg11[%multiple_of3A_63, %dma_wait3A_72] : memref<10112x128xf32, #tpu.memory_space<vmem_shared>> -> memref<128x128xf32, #tpu.memory_space<vmem_shared>>
        tpu.wait_dma2 semaphore(%run_scoped3A : memref<!tpu.dma_semaphore, #tpu.memory_space<semaphore_mem>>) src(%dma_wait3A_73 : memref<128x128xf32, #tpu.memory_space<vmem_shared>>) dst(%arg10 : memref<128x128xf32, #tpu.memory_space<vmem>>)
        tpu.yield
      }) : () -> ()
      "tpu.region"() ({
        %run_scoped3A = tpu.sem_alloc : memref<!tpu.dma_semaphore, #tpu.memory_space<semaphore_mem>>
        %dma_start3A = arith.constant 0 : i32
        %dma_start3A_68 = tpu.memref_slice %arg7[%multiple_of3A_67, %dma_start3A] : memref<20224x128xf32, #tpu.memory_space<hbm>> -> memref<128x128xf32, #tpu.memory_space<hbm>>
        %dma_start3A_69 = arith.constant 0 : i32
        %dma_start3A_70 = tpu.memref_slice %arg7[%multiple_of3A_67, %dma_start3A_69] : memref<20224x128xf32, #tpu.memory_space<hbm>> -> memref<128x128xf32, #tpu.memory_space<hbm>>
        tpu.enqueue_dma source(%arg10 : memref<128x128xf32, #tpu.memory_space<vmem>>) target(%dma_start3A_70 : memref<128x128xf32, #tpu.memory_space<hbm>>) target_semaphore(%run_scoped3A : memref<!tpu.dma_semaphore, #tpu.memory_space<semaphore_mem>>)
        %dma_wait3A = arith.constant 0 : i32
        %dma_wait3A_71 = tpu.memref_slice %arg7[%multiple_of3A_67, %dma_wait3A] : memref<20224x128xf32, #tpu.memory_space<hbm>> -> memref<128x128xf32, #tpu.memory_space<hbm>>
        %dma_wait3A_72 = arith.constant 0 : i32
        %dma_wait3A_73 = tpu.memref_slice %arg7[%multiple_of3A_67, %dma_wait3A_72] : memref<20224x128xf32, #tpu.memory_space<hbm>> -> memref<128x128xf32, #tpu.memory_space<hbm>>
        tpu.wait_dma2 semaphore(%run_scoped3A : memref<!tpu.dma_semaphore, #tpu.memory_space<semaphore_mem>>) src(%arg10 : memref<128x128xf32, #tpu.memory_space<vmem>>) dst(%dma_wait3A_73 : memref<128x128xf32, #tpu.memory_space<hbm>>)
        tpu.yield
      }) : () -> ()
    }
    %while3A_56 = arith.constant 1 : i32
    scf.for %while3A_57 = %while3A_54 to %while3A_50 step %while3A_56  : i32 {
      %mul3A_58 = arith.muli %while3A_57, %while3A_46 : i32
      %add3A_59 = arith.addi %while3A_47, %mul3A_58 : i32
      %mul3A_60 = arith.constant 128 : i32
      %mul3A_61 = arith.muli %add3A_59, %mul3A_60 : i32
      %add3A_62 = arith.addi %multiple_of3A, %mul3A_61 : i32
      %multiple_of3A_63 = tpu.assume_multiple %add3A_62, 128 : i32
      %mul3A_64 = arith.constant 128 : i32
      %mul3A_65 = arith.muli %add3A_59, %mul3A_64 : i32
      %add3A_66 = arith.addi %multiple_of3A_37, %mul3A_65 : i32
      %multiple_of3A_67 = tpu.assume_multiple %add3A_66, 128 : i32
      "tpu.region"() ({
        %run_scoped3A = tpu.sem_alloc : memref<!tpu.dma_semaphore, #tpu.memory_space<semaphore_mem>>
        %dma_start3A = arith.constant 0 : i32
        %dma_start3A_68 = tpu.memref_slice %arg11[%multiple_of3A_63, %dma_start3A] : memref<10112x128xf32, #tpu.memory_space<vmem_shared>> -> memref<128x128xf32, #tpu.memory_space<vmem_shared>>
        %dma_start3A_69 = arith.constant 0 : i32
        %dma_start3A_70 = tpu.memref_slice %arg11[%multiple_of3A_63, %dma_start3A_69] : memref<10112x128xf32, #tpu.memory_space<vmem_shared>> -> memref<128x128xf32, #tpu.memory_space<vmem_shared>>
        tpu.enqueue_dma source(%dma_start3A_70 : memref<128x128xf32, #tpu.memory_space<vmem_shared>>) target(%arg10 : memref<128x128xf32, #tpu.memory_space<vmem>>) target_semaphore(%run_scoped3A : memref<!tpu.dma_semaphore, #tpu.memory_space<semaphore_mem>>)
        %dma_wait3A = arith.constant 0 : i32
        %dma_wait3A_71 = tpu.memref_slice %arg11[%multiple_of3A_63, %dma_wait3A] : memref<10112x128xf32, #tpu.memory_space<vmem_shared>> -> memref<128x128xf32, #tpu.memory_space<vmem_shared>>
        %dma_wait3A_72 = arith.constant 0 : i32
        %dma_wait3A_73 = tpu.memref_slice %arg11[%multiple_of3A_63, %dma_wait3A_72] : memref<10112x128xf32, #tpu.memory_space<vmem_shared>> -> memref<128x128xf32, #tpu.memory_space<vmem_shared>>
        tpu.wait_dma2 semaphore(%run_scoped3A : memref<!tpu.dma_semaphore, #tpu.memory_space<semaphore_mem>>) src(%dma_wait3A_73 : memref<128x128xf32, #tpu.memory_space<vmem_shared>>) dst(%arg10 : memref<128x128xf32, #tpu.memory_space<vmem>>)
        tpu.yield
      }) : () -> ()
      "tpu.region"() ({
        %run_scoped3A = tpu.sem_alloc : memref<!tpu.dma_semaphore, #tpu.memory_space<semaphore_mem>>
        %dma_start3A = arith.constant 0 : i32
        %dma_start3A_68 = tpu.memref_slice %arg7[%multiple_of3A_67, %dma_start3A] : memref<20224x128xf32, #tpu.memory_space<hbm>> -> memref<128x128xf32, #tpu.memory_space<hbm>>
        %dma_start3A_69 = arith.constant 0 : i32
        %dma_start3A_70 = tpu.memref_slice %arg7[%multiple_of3A_67, %dma_start3A_69] : memref<20224x128xf32, #tpu.memory_space<hbm>> -> memref<128x128xf32, #tpu.memory_space<hbm>>
        tpu.enqueue_dma source(%arg10 : memref<128x128xf32, #tpu.memory_space<vmem>>) target(%dma_start3A_70 : memref<128x128xf32, #tpu.memory_space<hbm>>) target_semaphore(%run_scoped3A : memref<!tpu.dma_semaphore, #tpu.memory_space<semaphore_mem>>)
        %dma_wait3A = arith.constant 0 : i32
        %dma_wait3A_71 = tpu.memref_slice %arg7[%multiple_of3A_67, %dma_wait3A] : memref<20224x128xf32, #tpu.memory_space<hbm>> -> memref<128x128xf32, #tpu.memory_space<hbm>>
        %dma_wait3A_72 = arith.constant 0 : i32
        %dma_wait3A_73 = tpu.memref_slice %arg7[%multiple_of3A_67, %dma_wait3A_72] : memref<20224x128xf32, #tpu.memory_space<hbm>> -> memref<128x128xf32, #tpu.memory_space<hbm>>
        tpu.wait_dma2 semaphore(%run_scoped3A : memref<!tpu.dma_semaphore, #tpu.memory_space<semaphore_mem>>) src(%arg10 : memref<128x128xf32, #tpu.memory_space<vmem>>) dst(%dma_wait3A_73 : memref<128x128xf32, #tpu.memory_space<hbm>>)
        tpu.yield
      }) : () -> ()
    }
    return
  }
}

#map = affine_map<(d0, d1) -> (0, 0)>
#map1 = affine_map<(d0, d1) -> (0, 0, 0)>
module attributes {stable_mosaic.version = 14 : i64} {
  func.func @k(%arg0: i32, %arg1: i32, %arg2: memref<10000x256xf32, #tpu.memory_space<hbm>>, %arg3: memref<160x1x64xi32, #tpu.memory_space<hbm>>, %arg4: memref<10240x256xf32, #tpu.memory_space<hbm>>, %arg5: memref<5x1x64xi32, #tpu.memory_space<vmem>>, %arg6: memref<64x256xf32, #tpu.memory_space<vmem>>, %arg7: memref<64x256xf32, #tpu.memory_space<vmem>>, %arg8: memref<!tpu.dma_semaphore, #tpu.memory_space<semaphore_mem>>, %arg9: memref<!tpu.dma_semaphore, #tpu.memory_space<semaphore_mem>>) attributes {dimension_semantics = [#tpu.dimension_semantics<core_parallel>, #tpu.dimension_semantics<subcore_parallel>], iteration_bounds = array<i64: 2, 16>, scalar_prefetch = 0 : i64, scratch_operands = 5 : i64, tpu.core_type = #tpu.core_type<sc_vector_subcore>, window_params = [{transform_indices = #map}, {transform_indices = #map1}, {transform_indices = #map}]} {
    %mul3A = arith.constant 2 : i32
    %mul3A_0 = arith.muli %arg1, %mul3A : i32
    %add3A = arith.addi %mul3A_0, %arg0 : i32
    %mul3A_1 = arith.constant 5 : i32
    %mul3A_2 = arith.muli %add3A, %mul3A_1 : i32
    %multiple_of3A = tpu.assume_multiple %mul3A_2, 8 : i32
    "tpu.region"() ({
      %run_scoped3A = tpu.sem_alloc : memref<!tpu.dma_semaphore, #tpu.memory_space<semaphore_mem>>
      %dma_start3A_106 = arith.constant 0 : i32
      %dma_start3A_107 = arith.constant 0 : i32
      %dma_start3A_108 = tpu.memref_slice %arg3[%multiple_of3A, %dma_start3A_106, %dma_start3A_107] : memref<160x1x64xi32, #tpu.memory_space<hbm>> -> memref<5x1x64xi32, #tpu.memory_space<hbm>>
      %dma_start3A_109 = arith.constant 0 : i32
      %dma_start3A_110 = arith.constant 0 : i32
      %dma_start3A_111 = tpu.memref_slice %arg3[%multiple_of3A, %dma_start3A_109, %dma_start3A_110] : memref<160x1x64xi32, #tpu.memory_space<hbm>> -> memref<5x1x64xi32, #tpu.memory_space<hbm>>
      tpu.enqueue_dma source(%dma_start3A_111 : memref<5x1x64xi32, #tpu.memory_space<hbm>>) target(%arg5 : memref<5x1x64xi32, #tpu.memory_space<vmem>>) target_semaphore(%run_scoped3A : memref<!tpu.dma_semaphore, #tpu.memory_space<semaphore_mem>>)
      %dma_wait3A_112 = arith.constant 0 : i32
      %dma_wait3A_113 = arith.constant 0 : i32
      %dma_wait3A_114 = tpu.memref_slice %arg3[%multiple_of3A, %dma_wait3A_112, %dma_wait3A_113] : memref<160x1x64xi32, #tpu.memory_space<hbm>> -> memref<5x1x64xi32, #tpu.memory_space<hbm>>
      %dma_wait3A_115 = arith.constant 0 : i32
      %dma_wait3A_116 = arith.constant 0 : i32
      %dma_wait3A_117 = tpu.memref_slice %arg3[%multiple_of3A, %dma_wait3A_115, %dma_wait3A_116] : memref<160x1x64xi32, #tpu.memory_space<hbm>> -> memref<5x1x64xi32, #tpu.memory_space<hbm>>
      tpu.wait_dma2 semaphore(%run_scoped3A : memref<!tpu.dma_semaphore, #tpu.memory_space<semaphore_mem>>) src(%dma_wait3A_117 : memref<5x1x64xi32, #tpu.memory_space<hbm>>) dst(%arg5 : memref<5x1x64xi32, #tpu.memory_space<vmem>>)
      tpu.yield
    }) : () -> ()
    %dma_start3A = arith.constant 0 : i32
    %dma_start3A_3 = arith.constant 0 : i32
    %dma_start3A_4 = arith.constant 0 : i32
    %dma_start3A_5 = tpu.memref_slice %arg5[%dma_start3A, %dma_start3A_3, %dma_start3A_4] : memref<5x1x64xi32, #tpu.memory_space<vmem>> -> memref<1x1x64xi32, #tpu.memory_space<vmem>>
    %dma_start3A_6 = tpu.memref_squeeze %dma_start3A_5 : memref<1x1x64xi32, #tpu.memory_space<vmem>> -> memref<64xi32, #tpu.memory_space<vmem>>
    %dma_start3A_7 = arith.constant 0 : i32
    %dma_start3A_8 = arith.constant 0 : i32
    %dma_start3A_9 = tpu.memref_slice %arg2[%dma_start3A_7, %dma_start3A_8] : memref<10000x256xf32, #tpu.memory_space<hbm>> -> memref<10000x256xf32, #tpu.memory_space<hbm>>
    tpu.enqueue_indirect_dma source(%dma_start3A_9 : memref<10000x256xf32, #tpu.memory_space<hbm>>) target(%arg6 : memref<64x256xf32, #tpu.memory_space<vmem>>) offsets(%dma_start3A_6 : memref<64xi32, #tpu.memory_space<vmem>>) semaphore(%arg8 : memref<!tpu.dma_semaphore, #tpu.memory_space<semaphore_mem>>)
    %dma_start3A_10 = arith.constant 1 : i32
    %dma_start3A_11 = arith.constant 0 : i32
    %dma_start3A_12 = arith.constant 0 : i32
    %dma_start3A_13 = tpu.memref_slice %arg5[%dma_start3A_10, %dma_start3A_11, %dma_start3A_12] : memref<5x1x64xi32, #tpu.memory_space<vmem>> -> memref<1x1x64xi32, #tpu.memory_space<vmem>>
    %dma_start3A_14 = tpu.memref_squeeze %dma_start3A_13 : memref<1x1x64xi32, #tpu.memory_space<vmem>> -> memref<64xi32, #tpu.memory_space<vmem>>
    %dma_start3A_15 = arith.constant 0 : i32
    %dma_start3A_16 = arith.constant 0 : i32
    %dma_start3A_17 = tpu.memref_slice %arg2[%dma_start3A_15, %dma_start3A_16] : memref<10000x256xf32, #tpu.memory_space<hbm>> -> memref<10000x256xf32, #tpu.memory_space<hbm>>
    tpu.enqueue_indirect_dma source(%dma_start3A_17 : memref<10000x256xf32, #tpu.memory_space<hbm>>) target(%arg7 : memref<64x256xf32, #tpu.memory_space<vmem>>) offsets(%dma_start3A_14 : memref<64xi32, #tpu.memory_space<vmem>>) semaphore(%arg9 : memref<!tpu.dma_semaphore, #tpu.memory_space<semaphore_mem>>)
    %dma_wait3A = arith.constant 0 : i32
    %dma_wait3A_18 = arith.constant 0 : i32
    %dma_wait3A_19 = arith.constant 0 : i32
    %dma_wait3A_20 = tpu.memref_slice %arg5[%dma_wait3A, %dma_wait3A_18, %dma_wait3A_19] : memref<5x1x64xi32, #tpu.memory_space<vmem>> -> memref<1x1x64xi32, #tpu.memory_space<vmem>>
    %dma_wait3A_21 = tpu.memref_squeeze %dma_wait3A_20 : memref<1x1x64xi32, #tpu.memory_space<vmem>> -> memref<64xi32, #tpu.memory_space<vmem>>
    %dma_wait3A_22 = arith.constant 0 : i32
    %dma_wait3A_23 = arith.constant 0 : i32
    %dma_wait3A_24 = tpu.memref_slice %arg2[%dma_wait3A_22, %dma_wait3A_23] : memref<10000x256xf32, #tpu.memory_space<hbm>> -> memref<10000x256xf32, #tpu.memory_space<hbm>>
    tpu.wait_indirect_dma semaphore(%arg8 : memref<!tpu.dma_semaphore, #tpu.memory_space<semaphore_mem>>) src(%dma_wait3A_24 : memref<10000x256xf32, #tpu.memory_space<hbm>>) dst(%arg6 : memref<64x256xf32, #tpu.memory_space<vmem>>)
    %mul3A_25 = arith.constant 320 : i32
    %mul3A_26 = arith.muli %add3A, %mul3A_25 : i32
    %add3A_27 = arith.constant 0 : i32
    %add3A_28 = arith.addi %mul3A_26, %add3A_27 : i32
    %multiple_of3A_29 = tpu.assume_multiple %add3A_28, 64 : i32
    "tpu.region"() ({
      %run_scoped3A = tpu.sem_alloc : memref<!tpu.dma_semaphore, #tpu.memory_space<semaphore_mem>>
      %dma_start3A_106 = arith.constant 0 : i32
      %dma_start3A_107 = tpu.memref_slice %arg4[%multiple_of3A_29, %dma_start3A_106] : memref<10240x256xf32, #tpu.memory_space<hbm>> -> memref<64x256xf32, #tpu.memory_space<hbm>>
      %dma_start3A_108 = arith.constant 0 : i32
      %dma_start3A_109 = tpu.memref_slice %arg4[%multiple_of3A_29, %dma_start3A_108] : memref<10240x256xf32, #tpu.memory_space<hbm>> -> memref<64x256xf32, #tpu.memory_space<hbm>>
      tpu.enqueue_dma source(%arg6 : memref<64x256xf32, #tpu.memory_space<vmem>>) target(%dma_start3A_109 : memref<64x256xf32, #tpu.memory_space<hbm>>) target_semaphore(%run_scoped3A : memref<!tpu.dma_semaphore, #tpu.memory_space<semaphore_mem>>)
      %dma_wait3A_110 = arith.constant 0 : i32
      %dma_wait3A_111 = tpu.memref_slice %arg4[%multiple_of3A_29, %dma_wait3A_110] : memref<10240x256xf32, #tpu.memory_space<hbm>> -> memref<64x256xf32, #tpu.memory_space<hbm>>
      %dma_wait3A_112 = arith.constant 0 : i32
      %dma_wait3A_113 = tpu.memref_slice %arg4[%multiple_of3A_29, %dma_wait3A_112] : memref<10240x256xf32, #tpu.memory_space<hbm>> -> memref<64x256xf32, #tpu.memory_space<hbm>>
      tpu.wait_dma2 semaphore(%run_scoped3A : memref<!tpu.dma_semaphore, #tpu.memory_space<semaphore_mem>>) src(%arg6 : memref<64x256xf32, #tpu.memory_space<vmem>>) dst(%dma_wait3A_113 : memref<64x256xf32, #tpu.memory_space<hbm>>)
      tpu.yield
    }) : () -> ()
    %dma_start3A_30 = arith.constant 2 : i32
    %dma_start3A_31 = arith.constant 0 : i32
    %dma_start3A_32 = arith.constant 0 : i32
    %dma_start3A_33 = tpu.memref_slice %arg5[%dma_start3A_30, %dma_start3A_31, %dma_start3A_32] : memref<5x1x64xi32, #tpu.memory_space<vmem>> -> memref<1x1x64xi32, #tpu.memory_space<vmem>>
    %dma_start3A_34 = tpu.memref_squeeze %dma_start3A_33 : memref<1x1x64xi32, #tpu.memory_space<vmem>> -> memref<64xi32, #tpu.memory_space<vmem>>
    %dma_start3A_35 = arith.constant 0 : i32
    %dma_start3A_36 = arith.constant 0 : i32
    %dma_start3A_37 = tpu.memref_slice %arg2[%dma_start3A_35, %dma_start3A_36] : memref<10000x256xf32, #tpu.memory_space<hbm>> -> memref<10000x256xf32, #tpu.memory_space<hbm>>
    tpu.enqueue_indirect_dma source(%dma_start3A_37 : memref<10000x256xf32, #tpu.memory_space<hbm>>) target(%arg6 : memref<64x256xf32, #tpu.memory_space<vmem>>) offsets(%dma_start3A_34 : memref<64xi32, #tpu.memory_space<vmem>>) semaphore(%arg8 : memref<!tpu.dma_semaphore, #tpu.memory_space<semaphore_mem>>)
    %dma_wait3A_38 = arith.constant 1 : i32
    %dma_wait3A_39 = arith.constant 0 : i32
    %dma_wait3A_40 = arith.constant 0 : i32
    %dma_wait3A_41 = tpu.memref_slice %arg5[%dma_wait3A_38, %dma_wait3A_39, %dma_wait3A_40] : memref<5x1x64xi32, #tpu.memory_space<vmem>> -> memref<1x1x64xi32, #tpu.memory_space<vmem>>
    %dma_wait3A_42 = tpu.memref_squeeze %dma_wait3A_41 : memref<1x1x64xi32, #tpu.memory_space<vmem>> -> memref<64xi32, #tpu.memory_space<vmem>>
    %dma_wait3A_43 = arith.constant 0 : i32
    %dma_wait3A_44 = arith.constant 0 : i32
    %dma_wait3A_45 = tpu.memref_slice %arg2[%dma_wait3A_43, %dma_wait3A_44] : memref<10000x256xf32, #tpu.memory_space<hbm>> -> memref<10000x256xf32, #tpu.memory_space<hbm>>
    tpu.wait_indirect_dma semaphore(%arg9 : memref<!tpu.dma_semaphore, #tpu.memory_space<semaphore_mem>>) src(%dma_wait3A_45 : memref<10000x256xf32, #tpu.memory_space<hbm>>) dst(%arg7 : memref<64x256xf32, #tpu.memory_space<vmem>>)
    %mul3A_46 = arith.constant 320 : i32
    %mul3A_47 = arith.muli %add3A, %mul3A_46 : i32
    %add3A_48 = arith.constant 64 : i32
    %add3A_49 = arith.addi %mul3A_47, %add3A_48 : i32
    %multiple_of3A_50 = tpu.assume_multiple %add3A_49, 64 : i32
    "tpu.region"() ({
      %run_scoped3A = tpu.sem_alloc : memref<!tpu.dma_semaphore, #tpu.memory_space<semaphore_mem>>
      %dma_start3A_106 = arith.constant 0 : i32
      %dma_start3A_107 = tpu.memref_slice %arg4[%multiple_of3A_50, %dma_start3A_106] : memref<10240x256xf32, #tpu.memory_space<hbm>> -> memref<64x256xf32, #tpu.memory_space<hbm>>
      %dma_start3A_108 = arith.constant 0 : i32
      %dma_start3A_109 = tpu.memref_slice %arg4[%multiple_of3A_50, %dma_start3A_108] : memref<10240x256xf32, #tpu.memory_space<hbm>> -> memref<64x256xf32, #tpu.memory_space<hbm>>
      tpu.enqueue_dma source(%arg7 : memref<64x256xf32, #tpu.memory_space<vmem>>) target(%dma_start3A_109 : memref<64x256xf32, #tpu.memory_space<hbm>>) target_semaphore(%run_scoped3A : memref<!tpu.dma_semaphore, #tpu.memory_space<semaphore_mem>>)
      %dma_wait3A_110 = arith.constant 0 : i32
      %dma_wait3A_111 = tpu.memref_slice %arg4[%multiple_of3A_50, %dma_wait3A_110] : memref<10240x256xf32, #tpu.memory_space<hbm>> -> memref<64x256xf32, #tpu.memory_space<hbm>>
      %dma_wait3A_112 = arith.constant 0 : i32
      %dma_wait3A_113 = tpu.memref_slice %arg4[%multiple_of3A_50, %dma_wait3A_112] : memref<10240x256xf32, #tpu.memory_space<hbm>> -> memref<64x256xf32, #tpu.memory_space<hbm>>
      tpu.wait_dma2 semaphore(%run_scoped3A : memref<!tpu.dma_semaphore, #tpu.memory_space<semaphore_mem>>) src(%arg7 : memref<64x256xf32, #tpu.memory_space<vmem>>) dst(%dma_wait3A_113 : memref<64x256xf32, #tpu.memory_space<hbm>>)
      tpu.yield
    }) : () -> ()
    %dma_start3A_51 = arith.constant 3 : i32
    %dma_start3A_52 = arith.constant 0 : i32
    %dma_start3A_53 = arith.constant 0 : i32
    %dma_start3A_54 = tpu.memref_slice %arg5[%dma_start3A_51, %dma_start3A_52, %dma_start3A_53] : memref<5x1x64xi32, #tpu.memory_space<vmem>> -> memref<1x1x64xi32, #tpu.memory_space<vmem>>
    %dma_start3A_55 = tpu.memref_squeeze %dma_start3A_54 : memref<1x1x64xi32, #tpu.memory_space<vmem>> -> memref<64xi32, #tpu.memory_space<vmem>>
    %dma_start3A_56 = arith.constant 0 : i32
    %dma_start3A_57 = arith.constant 0 : i32
    %dma_start3A_58 = tpu.memref_slice %arg2[%dma_start3A_56, %dma_start3A_57] : memref<10000x256xf32, #tpu.memory_space<hbm>> -> memref<10000x256xf32, #tpu.memory_space<hbm>>
    tpu.enqueue_indirect_dma source(%dma_start3A_58 : memref<10000x256xf32, #tpu.memory_space<hbm>>) target(%arg7 : memref<64x256xf32, #tpu.memory_space<vmem>>) offsets(%dma_start3A_55 : memref<64xi32, #tpu.memory_space<vmem>>) semaphore(%arg9 : memref<!tpu.dma_semaphore, #tpu.memory_space<semaphore_mem>>)
    %dma_wait3A_59 = arith.constant 2 : i32
    %dma_wait3A_60 = arith.constant 0 : i32
    %dma_wait3A_61 = arith.constant 0 : i32
    %dma_wait3A_62 = tpu.memref_slice %arg5[%dma_wait3A_59, %dma_wait3A_60, %dma_wait3A_61] : memref<5x1x64xi32, #tpu.memory_space<vmem>> -> memref<1x1x64xi32, #tpu.memory_space<vmem>>
    %dma_wait3A_63 = tpu.memref_squeeze %dma_wait3A_62 : memref<1x1x64xi32, #tpu.memory_space<vmem>> -> memref<64xi32, #tpu.memory_space<vmem>>
    %dma_wait3A_64 = arith.constant 0 : i32
    %dma_wait3A_65 = arith.constant 0 : i32
    %dma_wait3A_66 = tpu.memref_slice %arg2[%dma_wait3A_64, %dma_wait3A_65] : memref<10000x256xf32, #tpu.memory_space<hbm>> -> memref<10000x256xf32, #tpu.memory_space<hbm>>
    tpu.wait_indirect_dma semaphore(%arg8 : memref<!tpu.dma_semaphore, #tpu.memory_space<semaphore_mem>>) src(%dma_wait3A_66 : memref<10000x256xf32, #tpu.memory_space<hbm>>) dst(%arg6 : memref<64x256xf32, #tpu.memory_space<vmem>>)
    %mul3A_67 = arith.constant 320 : i32
    %mul3A_68 = arith.muli %add3A, %mul3A_67 : i32
    %add3A_69 = arith.constant 128 : i32
    %add3A_70 = arith.addi %mul3A_68, %add3A_69 : i32
    %multiple_of3A_71 = tpu.assume_multiple %add3A_70, 64 : i32
    "tpu.region"() ({
      %run_scoped3A = tpu.sem_alloc : memref<!tpu.dma_semaphore, #tpu.memory_space<semaphore_mem>>
      %dma_start3A_106 = arith.constant 0 : i32
      %dma_start3A_107 = tpu.memref_slice %arg4[%multiple_of3A_71, %dma_start3A_106] : memref<10240x256xf32, #tpu.memory_space<hbm>> -> memref<64x256xf32, #tpu.memory_space<hbm>>
      %dma_start3A_108 = arith.constant 0 : i32
      %dma_start3A_109 = tpu.memref_slice %arg4[%multiple_of3A_71, %dma_start3A_108] : memref<10240x256xf32, #tpu.memory_space<hbm>> -> memref<64x256xf32, #tpu.memory_space<hbm>>
      tpu.enqueue_dma source(%arg6 : memref<64x256xf32, #tpu.memory_space<vmem>>) target(%dma_start3A_109 : memref<64x256xf32, #tpu.memory_space<hbm>>) target_semaphore(%run_scoped3A : memref<!tpu.dma_semaphore, #tpu.memory_space<semaphore_mem>>)
      %dma_wait3A_110 = arith.constant 0 : i32
      %dma_wait3A_111 = tpu.memref_slice %arg4[%multiple_of3A_71, %dma_wait3A_110] : memref<10240x256xf32, #tpu.memory_space<hbm>> -> memref<64x256xf32, #tpu.memory_space<hbm>>
      %dma_wait3A_112 = arith.constant 0 : i32
      %dma_wait3A_113 = tpu.memref_slice %arg4[%multiple_of3A_71, %dma_wait3A_112] : memref<10240x256xf32, #tpu.memory_space<hbm>> -> memref<64x256xf32, #tpu.memory_space<hbm>>
      tpu.wait_dma2 semaphore(%run_scoped3A : memref<!tpu.dma_semaphore, #tpu.memory_space<semaphore_mem>>) src(%arg6 : memref<64x256xf32, #tpu.memory_space<vmem>>) dst(%dma_wait3A_113 : memref<64x256xf32, #tpu.memory_space<hbm>>)
      tpu.yield
    }) : () -> ()
    %dma_start3A_72 = arith.constant 4 : i32
    %dma_start3A_73 = arith.constant 0 : i32
    %dma_start3A_74 = arith.constant 0 : i32
    %dma_start3A_75 = tpu.memref_slice %arg5[%dma_start3A_72, %dma_start3A_73, %dma_start3A_74] : memref<5x1x64xi32, #tpu.memory_space<vmem>> -> memref<1x1x64xi32, #tpu.memory_space<vmem>>
    %dma_start3A_76 = tpu.memref_squeeze %dma_start3A_75 : memref<1x1x64xi32, #tpu.memory_space<vmem>> -> memref<64xi32, #tpu.memory_space<vmem>>
    %dma_start3A_77 = arith.constant 0 : i32
    %dma_start3A_78 = arith.constant 0 : i32
    %dma_start3A_79 = tpu.memref_slice %arg2[%dma_start3A_77, %dma_start3A_78] : memref<10000x256xf32, #tpu.memory_space<hbm>> -> memref<10000x256xf32, #tpu.memory_space<hbm>>
    tpu.enqueue_indirect_dma source(%dma_start3A_79 : memref<10000x256xf32, #tpu.memory_space<hbm>>) target(%arg6 : memref<64x256xf32, #tpu.memory_space<vmem>>) offsets(%dma_start3A_76 : memref<64xi32, #tpu.memory_space<vmem>>) semaphore(%arg8 : memref<!tpu.dma_semaphore, #tpu.memory_space<semaphore_mem>>)
    %dma_wait3A_80 = arith.constant 3 : i32
    %dma_wait3A_81 = arith.constant 0 : i32
    %dma_wait3A_82 = arith.constant 0 : i32
    %dma_wait3A_83 = tpu.memref_slice %arg5[%dma_wait3A_80, %dma_wait3A_81, %dma_wait3A_82] : memref<5x1x64xi32, #tpu.memory_space<vmem>> -> memref<1x1x64xi32, #tpu.memory_space<vmem>>
    %dma_wait3A_84 = tpu.memref_squeeze %dma_wait3A_83 : memref<1x1x64xi32, #tpu.memory_space<vmem>> -> memref<64xi32, #tpu.memory_space<vmem>>
    %dma_wait3A_85 = arith.constant 0 : i32
    %dma_wait3A_86 = arith.constant 0 : i32
    %dma_wait3A_87 = tpu.memref_slice %arg2[%dma_wait3A_85, %dma_wait3A_86] : memref<10000x256xf32, #tpu.memory_space<hbm>> -> memref<10000x256xf32, #tpu.memory_space<hbm>>
    tpu.wait_indirect_dma semaphore(%arg9 : memref<!tpu.dma_semaphore, #tpu.memory_space<semaphore_mem>>) src(%dma_wait3A_87 : memref<10000x256xf32, #tpu.memory_space<hbm>>) dst(%arg7 : memref<64x256xf32, #tpu.memory_space<vmem>>)
    %mul3A_88 = arith.constant 320 : i32
    %mul3A_89 = arith.muli %add3A, %mul3A_88 : i32
    %add3A_90 = arith.constant 192 : i32
    %add3A_91 = arith.addi %mul3A_89, %add3A_90 : i32
    %multiple_of3A_92 = tpu.assume_multiple %add3A_91, 64 : i32
    "tpu.region"() ({
      %run_scoped3A = tpu.sem_alloc : memref<!tpu.dma_semaphore, #tpu.memory_space<semaphore_mem>>
      %dma_start3A_106 = arith.constant 0 : i32
      %dma_start3A_107 = tpu.memref_slice %arg4[%multiple_of3A_92, %dma_start3A_106] : memref<10240x256xf32, #tpu.memory_space<hbm>> -> memref<64x256xf32, #tpu.memory_space<hbm>>
      %dma_start3A_108 = arith.constant 0 : i32
      %dma_start3A_109 = tpu.memref_slice %arg4[%multiple_of3A_92, %dma_start3A_108] : memref<10240x256xf32, #tpu.memory_space<hbm>> -> memref<64x256xf32, #tpu.memory_space<hbm>>
      tpu.enqueue_dma source(%arg7 : memref<64x256xf32, #tpu.memory_space<vmem>>) target(%dma_start3A_109 : memref<64x256xf32, #tpu.memory_space<hbm>>) target_semaphore(%run_scoped3A : memref<!tpu.dma_semaphore, #tpu.memory_space<semaphore_mem>>)
      %dma_wait3A_110 = arith.constant 0 : i32
      %dma_wait3A_111 = tpu.memref_slice %arg4[%multiple_of3A_92, %dma_wait3A_110] : memref<10240x256xf32, #tpu.memory_space<hbm>> -> memref<64x256xf32, #tpu.memory_space<hbm>>
      %dma_wait3A_112 = arith.constant 0 : i32
      %dma_wait3A_113 = tpu.memref_slice %arg4[%multiple_of3A_92, %dma_wait3A_112] : memref<10240x256xf32, #tpu.memory_space<hbm>> -> memref<64x256xf32, #tpu.memory_space<hbm>>
      tpu.wait_dma2 semaphore(%run_scoped3A : memref<!tpu.dma_semaphore, #tpu.memory_space<semaphore_mem>>) src(%arg7 : memref<64x256xf32, #tpu.memory_space<vmem>>) dst(%dma_wait3A_113 : memref<64x256xf32, #tpu.memory_space<hbm>>)
      tpu.yield
    }) : () -> ()
    %dma_wait3A_93 = arith.constant 4 : i32
    %dma_wait3A_94 = arith.constant 0 : i32
    %dma_wait3A_95 = arith.constant 0 : i32
    %dma_wait3A_96 = tpu.memref_slice %arg5[%dma_wait3A_93, %dma_wait3A_94, %dma_wait3A_95] : memref<5x1x64xi32, #tpu.memory_space<vmem>> -> memref<1x1x64xi32, #tpu.memory_space<vmem>>
    %dma_wait3A_97 = tpu.memref_squeeze %dma_wait3A_96 : memref<1x1x64xi32, #tpu.memory_space<vmem>> -> memref<64xi32, #tpu.memory_space<vmem>>
    %dma_wait3A_98 = arith.constant 0 : i32
    %dma_wait3A_99 = arith.constant 0 : i32
    %dma_wait3A_100 = tpu.memref_slice %arg2[%dma_wait3A_98, %dma_wait3A_99] : memref<10000x256xf32, #tpu.memory_space<hbm>> -> memref<10000x256xf32, #tpu.memory_space<hbm>>
    tpu.wait_indirect_dma semaphore(%arg8 : memref<!tpu.dma_semaphore, #tpu.memory_space<semaphore_mem>>) src(%dma_wait3A_100 : memref<10000x256xf32, #tpu.memory_space<hbm>>) dst(%arg6 : memref<64x256xf32, #tpu.memory_space<vmem>>)
    %mul3A_101 = arith.constant 320 : i32
    %mul3A_102 = arith.muli %add3A, %mul3A_101 : i32
    %add3A_103 = arith.constant 256 : i32
    %add3A_104 = arith.addi %mul3A_102, %add3A_103 : i32
    %multiple_of3A_105 = tpu.assume_multiple %add3A_104, 64 : i32
    "tpu.region"() ({
      %run_scoped3A = tpu.sem_alloc : memref<!tpu.dma_semaphore, #tpu.memory_space<semaphore_mem>>
      %dma_start3A_106 = arith.constant 0 : i32
      %dma_start3A_107 = tpu.memref_slice %arg4[%multiple_of3A_105, %dma_start3A_106] : memref<10240x256xf32, #tpu.memory_space<hbm>> -> memref<64x256xf32, #tpu.memory_space<hbm>>
      %dma_start3A_108 = arith.constant 0 : i32
      %dma_start3A_109 = tpu.memref_slice %arg4[%multiple_of3A_105, %dma_start3A_108] : memref<10240x256xf32, #tpu.memory_space<hbm>> -> memref<64x256xf32, #tpu.memory_space<hbm>>
      tpu.enqueue_dma source(%arg6 : memref<64x256xf32, #tpu.memory_space<vmem>>) target(%dma_start3A_109 : memref<64x256xf32, #tpu.memory_space<hbm>>) target_semaphore(%run_scoped3A : memref<!tpu.dma_semaphore, #tpu.memory_space<semaphore_mem>>)
      %dma_wait3A_110 = arith.constant 0 : i32
      %dma_wait3A_111 = tpu.memref_slice %arg4[%multiple_of3A_105, %dma_wait3A_110] : memref<10240x256xf32, #tpu.memory_space<hbm>> -> memref<64x256xf32, #tpu.memory_space<hbm>>
      %dma_wait3A_112 = arith.constant 0 : i32
      %dma_wait3A_113 = tpu.memref_slice %arg4[%multiple_of3A_105, %dma_wait3A_112] : memref<10240x256xf32, #tpu.memory_space<hbm>> -> memref<64x256xf32, #tpu.memory_space<hbm>>
      tpu.wait_dma2 semaphore(%run_scoped3A : memref<!tpu.dma_semaphore, #tpu.memory_space<semaphore_mem>>) src(%arg6 : memref<64x256xf32, #tpu.memory_space<vmem>>) dst(%dma_wait3A_113 : memref<64x256xf32, #tpu.memory_space<hbm>>)
      tpu.yield
    }) : () -> ()
    return
  }
}

module attributes {stable_mosaic.version = 14 : i64} {
  func.func @mm(%arg0: i32, %arg1: memref<1000x256xf32, #tpu.memory_space<vmem>>, %arg2: memref<1000x128xf32, #tpu.memory_space<vmem>>, %arg3: memref<1000x128xf32, #tpu.memory_space<vmem>>, %arg4: memref<1000x128xf32, #tpu.memory_space<vmem>>, %arg5: memref<1000x128xf32, #tpu.memory_space<vmem>>, %arg6: memref<256x256xf32, #tpu.memory_space<vmem>>, %arg7: memref<128x256xf32, #tpu.memory_space<vmem>>, %arg8: memref<128x256xf32, #tpu.memory_space<vmem>>, %arg9: memref<1000x256xf32, #tpu.memory_space<vmem>>) attributes {dimension_semantics = [#tpu.dimension_semantics<arbitrary>], iteration_bounds = array<i64: 10>, scalar_prefetch = 0 : i64, scratch_operands = 0 : i64, tpu.core_type = #tpu.core_type<tc>, window_params = [{transform_indices = @transform_0, window_bounds = array<i64: 1000, 256>}, {transform_indices = @transform_1, window_bounds = array<i64: 1000, 128>}, {transform_indices = @transform_2, window_bounds = array<i64: 1000, 128>}, {transform_indices = @transform_3, window_bounds = array<i64: 1000, 128>}, {transform_indices = @transform_4, window_bounds = array<i64: 1000, 128>}, {pipeline_mode = #tpu.pipeline_mode<synchronous>, transform_indices = @transform_5, window_bounds = array<i64: 256, 256>}, {pipeline_mode = #tpu.pipeline_mode<synchronous>, transform_indices = @transform_6, window_bounds = array<i64: 128, 256>}, {pipeline_mode = #tpu.pipeline_mode<synchronous>, transform_indices = @transform_7, window_bounds = array<i64: 128, 256>}, {transform_indices = @transform_8, window_bounds = array<i64: 1000, 256>}]} {
    %get3A = arith.constant 0 : index
    %get3A_0 = arith.constant 0 : index
    %get3A_1 = vector.load %arg4[%get3A, %get3A_0] : memref<1000x128xf32, #tpu.memory_space<vmem>>, vector<1000x1xf32>
    %get3A_2 = arith.constant 0 : index
    %get3A_3 = arith.constant 0 : index
    %get3A_4 = vector.load %arg5[%get3A_2, %get3A_3] : memref<1000x128xf32, #tpu.memory_space<vmem>>, vector<1000x1xf32>
    %add3A = arith.addf %get3A_1, %get3A_4 : vector<1000x1xf32>
    %max3A = arith.constant 1.000000e+00 : f32
    %max3A_5 = vector.broadcast %max3A : f32 to vector<1000x1xf32>
    %max3A_6 = arith.maximumf %add3A, %max3A_5 : vector<1000x1xf32>
    %div3A = arith.constant 1.000000e+00 : f32
    %div3A_7 = vector.broadcast %div3A : f32 to vector<1000x1xf32>
    %div3A_8 = arith.divf %div3A_7, %max3A_6 : vector<1000x1xf32>
    %get3A_9 = arith.constant 0 : index
    %get3A_10 = arith.constant 0 : index
    %get3A_11 = vector.load %arg1[%get3A_9, %get3A_10] : memref<1000x256xf32, #tpu.memory_space<vmem>>, vector<1000x256xf32>
    %get3A_12 = arith.constant 0 : index
    %get3A_13 = arith.constant 0 : index
    %get3A_14 = vector.load %arg6[%get3A_12, %get3A_13] : memref<256x256xf32, #tpu.memory_space<vmem>>, vector<256x256xf32>
    %dot_general3A = arith.constant dense<0.000000e+00> : vector<1000x256xf32>
    %dot_general3A_15 = tpu.matmul %get3A_11, %get3A_14, %dot_general3A {dimension_numbers = #tpu.dot_dimension_numbers<[1], [0], [0], [1], [0, 0, 1, 1], [], []>, transpose_lhs_hint = false} : vector<1000x256xf32>, vector<256x256xf32>, vector<1000x256xf32> -> vector<1000x256xf32>
    %get3A_16 = arith.constant 0 : index
    %get3A_17 = arith.constant 0 : index
    %get3A_18 = vector.load %arg2[%get3A_16, %get3A_17] : memref<1000x128xf32, #tpu.memory_space<vmem>>, vector<1000x128xf32>
    %mul3A = vector.broadcast %div3A_8 : vector<1000x1xf32> to vector<1000x128xf32>
    %mul3A_19 = arith.mulf %get3A_18, %mul3A : vector<1000x128xf32>
    %get3A_20 = arith.constant 0 : index
    %get3A_21 = arith.constant 0 : index
    %get3A_22 = vector.load %arg7[%get3A_20, %get3A_21] : memref<128x256xf32, #tpu.memory_space<vmem>>, vector<128x256xf32>
    %dot_general3A_23 = arith.constant dense<0.000000e+00> : vector<1000x256xf32>
    %dot_general3A_24 = tpu.matmul %mul3A_19, %get3A_22, %dot_general3A_23 {dimension_numbers = #tpu.dot_dimension_numbers<[1], [0], [0], [1], [0, 0, 1, 1], [], []>, transpose_lhs_hint = false} : vector<1000x128xf32>, vector<128x256xf32>, vector<1000x256xf32> -> vector<1000x256xf32>
    %add3A_25 = arith.addf %dot_general3A_15, %dot_general3A_24 : vector<1000x256xf32>
    %get3A_26 = arith.constant 0 : index
    %get3A_27 = arith.constant 0 : index
    %get3A_28 = vector.load %arg3[%get3A_26, %get3A_27] : memref<1000x128xf32, #tpu.memory_space<vmem>>, vector<1000x128xf32>
    %mul3A_29 = vector.broadcast %div3A_8 : vector<1000x1xf32> to vector<1000x128xf32>
    %mul3A_30 = arith.mulf %get3A_28, %mul3A_29 : vector<1000x128xf32>
    %get3A_31 = arith.constant 0 : index
    %get3A_32 = arith.constant 0 : index
    %get3A_33 = vector.load %arg8[%get3A_31, %get3A_32] : memref<128x256xf32, #tpu.memory_space<vmem>>, vector<128x256xf32>
    %dot_general3A_34 = arith.constant dense<0.000000e+00> : vector<1000x256xf32>
    %dot_general3A_35 = tpu.matmul %mul3A_30, %get3A_33, %dot_general3A_34 {dimension_numbers = #tpu.dot_dimension_numbers<[1], [0], [0], [1], [0, 0, 1, 1], [], []>, transpose_lhs_hint = false} : vector<1000x128xf32>, vector<128x256xf32>, vector<1000x256xf32> -> vector<1000x256xf32>
    %add3A_36 = arith.addf %add3A_25, %dot_general3A_35 : vector<1000x256xf32>
    %max3A_37 = arith.constant 0.000000e+00 : f32
    %max3A_38 = vector.broadcast %max3A_37 : f32 to vector<1000x256xf32>
    %max3A_39 = arith.maximumf %add3A_36, %max3A_38 : vector<1000x256xf32>
    %swap3A = arith.constant 0 : index
    %swap3A_40 = arith.constant 0 : index
    %swap3A_41 = vector.load %arg9[%swap3A, %swap3A_40] : memref<1000x256xf32, #tpu.memory_space<vmem>>, vector<1000x256xf32>
    tpu.vector_store %arg9[%swap3A, %swap3A_40], %max3A_39 {strides = array<i32>} : memref<1000x256xf32, #tpu.memory_space<vmem>>, vector<1000x256xf32>,
    return
  }
  func.func @transform_0(%arg0: i32) -> (i32, i32) {
    %c0_i32 = arith.constant 0 : i32
    %c0_i32_0 = arith.constant 0 : i32
    return %arg0, %c0_i32 : i32, i32
  }
  func.func @transform_1(%arg0: i32) -> (i32, i32) {
    %c0_i32 = arith.constant 0 : i32
    %c0_i32_0 = arith.constant 0 : i32
    return %arg0, %c0_i32 : i32, i32
  }
  func.func @transform_2(%arg0: i32) -> (i32, i32) {
    %c0_i32 = arith.constant 0 : i32
    %c0_i32_0 = arith.constant 0 : i32
    return %arg0, %c0_i32 : i32, i32
  }
  func.func @transform_3(%arg0: i32) -> (i32, i32) {
    %c0_i32 = arith.constant 0 : i32
    %c0_i32_0 = arith.constant 0 : i32
    return %arg0, %c0_i32 : i32, i32
  }
  func.func @transform_4(%arg0: i32) -> (i32, i32) {
    %c0_i32 = arith.constant 0 : i32
    %c0_i32_0 = arith.constant 0 : i32
    return %arg0, %c0_i32 : i32, i32
  }
  func.func @transform_5(%arg0: i32) -> (i32, i32) {
    %c0_i32 = arith.constant 0 : i32
    %c0_i32_0 = arith.constant 0 : i32
    %c0_i32_1 = arith.constant 0 : i32
    return %c0_i32, %c0_i32_0 : i32, i32
  }
  func.func @transform_6(%arg0: i32) -> (i32, i32) {
    %c0_i32 = arith.constant 0 : i32
    %c0_i32_0 = arith.constant 0 : i32
    %c0_i32_1 = arith.constant 0 : i32
    return %c0_i32, %c0_i32_0 : i32, i32
  }
  func.func @transform_7(%arg0: i32) -> (i32, i32) {
    %c0_i32 = arith.constant 0 : i32
    %c0_i32_0 = arith.constant 0 : i32
    %c0_i32_1 = arith.constant 0 : i32
    return %c0_i32, %c0_i32_0 : i32, i32
  }
  func.func @transform_8(%arg0: i32) -> (i32, i32) {
    %c0_i32 = arith.constant 0 : i32
    %c0_i32_0 = arith.constant 0 : i32
    return %arg0, %c0_i32 : i32, i32
  }
}

</mosaic_0001>

<sc_bundles>
// kernel: kernel.12.cloned.1.call-start
scs
__scs_entry_jumppad:
0x0: {  	(pc) =	sbr.rel $0x88, $3  }
0x1: {  	(tag) =	ssettag $0x0;
	lr =	simm.s32 $0x1  }
0x2: {  	[smem:$0x3F9D] =	sst lr;
	_ =	strace $0xD0000000  }
0x3: {  	_ = 	snop  }
0x4: {  	_ = 	snop  }
0x5: {  	_ = 	snop  }
0x6: {  	_ = 	snop  }
0x7: {  	_ = 	snop  }
__scs_overlays_trampoline_lowered:
0x8: {  	[smem:$0x3FAC] =	sst s0  }
0x9: {  	[smem:$0x3FAD] =	sst s1  }
0xa: {  	[smem:$0x3FAE] =	sst s2  }
0xb: {  	[smem:$0x3FAF] =	sst s3  }
0xc: {  	[smem:$0x3FB0] =	sst s4  }
0xd: {  	[smem:$0x3FB1] =	sst s5  }
0xe: {  	[smem:$0x3FB2] =	sst s6  }
0xf: {  	[smem:$0x3FB3] =	sst s7  }
0x10: {  	[smem:$0x3FB4] =	sst s8  }
0x11: {  	[smem:$0x3FB5] =	sst s9;
	s0 =	simm.s32 @!p0 $0x0  }
0x12: {  	s1 =	sld [smem:$0x3F9B];
	s0 =	simm.s32 @p0 $0x1  }
0x13: {  	[smem:$0x3FB6] =	sst s0;
	s0 =	simm.s32 @!p1 $0x0  }
0x14: {  	s2 =	sld [smem:$0x3F9A];
	s0 =	simm.s32 @p1 $0x1  }
0x15: {  	[smem:$0x3FB7] =	sst s0;
	s0 =	simm.s32 @!p2 $0x0  }
0x16: {  	s3 =	sld [smem:$0x3FDB];
	s0 =	simm.s32 @p2 $0x1  }
0x17: {  	s4 =	simm.s32 $0x1BF5;
	[smem:$0x3FB9] =	sst s0  }
0x18: {  	s0 =	sld [smem:$0x3F9C];
	_ =	swait.ge [sflag:s4], $0x0  }
0x19: {  	s7 =	sld [smem:$0x3F9D]  }
0x1a: {  	s8 =	sadd.s32 $0xFFFFE003, lr  }
0x1b: {  	s9 =	sadd.s32 $0xFFFFFEF7, lr;
	s5 =	simm.s32 $0xFFFFFFFF;
	p2 =	slt.u32 s8, $0xFFFFF086  }
0x1c: {  	p1 =	slt.u32 s9, $0xF7A;
	s5 =	simm.s32 @!p2 $0x0  }
0x1d: {  	s5 =	simm.s32 @p1 $0x1;
	p0 =	seq.s32 s7, s2  }
0x1e: {  	s7 =	smul.u32 @!p0 $0xF7A, s2;
	p2 =	seq.s32 @!p0 s5, $0x0  }
0x1f: {  	s9 =	smul.u32 $0xF7A, s1;
	s8 =	simm.s32 @!p0 $0x1BF5;
	p2 =	por !p2, p0  }
0x20: {  	[sflag:s8] =	ssyncset.s32 @!p0 $0xFFFFF086;
	s6 =	sadd.s32 @!p0 s3, s7;
	s7 =	simm.s32 @!p0 $0x108  }
0x21: {  	s3 =	sadd.s32 s3, s9;
	s6 =	sadd.s32 @!p0 $0x88, s6;
	s7 =	simm.s32 @p2 $0x1082  }
0x22: {  	[simem:s7], [sflag:s8] =	dma.local @!p0 [hbm:s6], $0xF7A  }
0x23: {  	s9 =	sor.u32 $0xD0000000, s2;
	s6 =	simm.s32 $0x108;
	_ =	swait.ge @!p0 [sflag:s8], $0x0  }
0x24: {  	s3 =	sadd.s32 $0x88, s3;
	s6 =	simm.s32 @!p1 $0x1082;
	[sflag:s4] =	ssyncset.s32 $0xFFFFF086  }
0x25: {  	[simem:s6], [sflag:s4] =	dma.local [hbm:s3], $0xF7A  }
0x26: {  	[smem:$0x3F9D] =	sst s1;
	(tag) =	ssettag s2;
	_ =	strace s9  }
0x27: {  	s1 =	sld [smem:$0x3FAD]  }
0x28: {  	s2 =	sld [smem:$0x3FAE]  }
0x29: {  	s4 =	sld [smem:$0x3FB0]  }
0x2a: {  	p0 =	seq.s32 s5, $0x0;
	s5 =	sld [smem:$0x3FB1]  }
0x2b: {  	s6 =	sld [smem:$0x3FB2]  }
0x2c: {  	s7 =	sld [smem:$0x3FB3]  }
0x2d: {  	s3 =	simm.s32 $0x108;
	s8 =	sld [smem:$0x3FB4]  }
0x2e: {  	s3 =	simm.s32 @!p0 $0x1082;
	s9 =	sld [smem:$0x3FB5]  }
0x2f: {  	lr =	sadd.s32 s0, s3;
	s0 =	sld [smem:$0x3FAC]  }
0x30: {  	s3 =	sld [smem:$0x3FAF]  }
0x31: {  	[smem:$0x3FB8] =	sst s10  }
0x32: {  	s10 =	sld [smem:$0x3FB6];
	_ =	sdelay $0x3  }
0x33: {  	p0 =	seq.s32 s10, $0x1;
	s10 =	sld [smem:$0x3FB8];
	_ =	sdelay $0x3  }
0x34: {  	[smem:$0x3FB8] =	sst s10  }
0x35: {  	s10 =	sld [smem:$0x3FB7];
	_ =	sdelay $0x3  }
0x36: {  	p1 =	seq.s32 s10, $0x1;
	s10 =	sld [smem:$0x3FB8];
	_ =	sdelay $0x3  }
0x37: {  	[smem:$0x3FB8] =	sst s10  }
0x38: {  	s10 =	sld [smem:$0x3FB9]  }
0x39: {  	_ = 	snop;
	(pc) =	sbr.ind lr, $3  }
0x3a: {  	_ = 	snop  }
0x3b: {  	_ = 	snop  }
0x3c: {  	p2 =	seq.s32 s10, $0x1;
	s10 =	sld [smem:$0x3FB8]  }
0x3d: {  	_ =	shalt  }
0x3e: {  	_ =	shalt  }
0x3f: {  	_ =	shalt  }
0x40: {  	_ =	shalt  }
0x41: {  	_ =	shalt  }
0x42: {  	_ =	shalt  }
0x43: {  	_ =	shalt  }
0x44: {  	_ =	shalt  }
0x45: {  	_ =	shalt  }
0x46: {  	_ =	shalt  }
0x47: {  	_ =	shalt  }
0x48: {  	_ =	shalt  }
0x49: {  	_ =	shalt  }
0x4a: {  	_ =	shalt  }
0x4b: {  	_ =	shalt  }
0x4c: {  	_ =	shalt  }
0x4d: {  	_ =	shalt  }
0x4e: {  	_ =	shalt  }
0x4f: {  	_ =	shalt  }
0x50: {  	_ =	shalt  }
0x51: {  	_ =	shalt  }
0x52: {  	_ =	shalt  }
0x53: {  	_ =	shalt  }
0x54: {  	_ =	shalt  }
0x55: {  	_ =	shalt  }
0x56: {  	_ =	shalt  }
0x57: {  	_ =	shalt  }
0x58: {  	_ =	shalt  }
0x59: {  	_ =	shalt  }
0x5a: {  	_ =	shalt  }
0x5b: {  	_ =	shalt  }
0x5c: {  	_ =	shalt  }
0x5d: {  	_ =	shalt  }
0x5e: {  	_ =	shalt  }
0x5f: {  	_ =	shalt  }
0x60: {  	_ =	shalt  }
0x61: {  	_ =	shalt  }
0x62: {  	_ =	shalt  }
0x63: {  	_ =	shalt  }
0x64: {  	_ =	shalt  }
0x65: {  	_ =	shalt  }
0x66: {  	_ =	shalt  }
0x67: {  	_ =	shalt  }
0x68: {  	_ =	shalt  }
0x69: {  	_ =	shalt  }
0x6a: {  	_ =	shalt  }
0x6b: {  	_ =	shalt  }
0x6c: {  	_ =	shalt  }
0x6d: {  	_ =	shalt  }
0x6e: {  	_ =	shalt  }
0x6f: {  	_ =	shalt  }
0x70: {  	_ =	shalt  }
0x71: {  	_ =	shalt  }
0x72: {  	_ =	shalt  }
0x73: {  	_ =	shalt  }
0x74: {  	_ =	shalt  }
0x75: {  	_ =	shalt  }
0x76: {  	_ =	shalt  }
0x77: {  	_ =	shalt  }
0x78: {  	_ =	shalt  }
0x79: {  	_ =	shalt  }
0x7a: {  	_ =	shalt  }
0x7b: {  	_ =	shalt  }
0x7c: {  	_ =	shalt  }
0x7d: {  	_ =	shalt  }
0x7e: {  	_ =	shalt  }
0x7f: {  	_ =	shalt  }
0x80: {  	_ =	shalt  }
0x81: {  	_ =	shalt  }
0x82: {  	_ =	shalt  }
0x83: {  	_ =	shalt  }
0x84: {  	_ =	shalt  }
0x85: {  	_ =	shalt  }
0x86: {  	_ =	shalt  }
0x87: {  	_ =	shalt  }
.Lfunc_end0:
.L_simem_size_0:
called_computation.2_lowered:
.L_overlay_start_0:
0x88: {  	s2 =	sld [smem:$0x3FD9]  }
0x89: {  	s3 =	sld [smem:$0x3FFE];
	_ =	sdelay $0x1  }
0x8a: {  	s1 =	srdreg.scid  }
0x8b: {  	s0 =	sand.u32 $0x1, s1  }
0x8c: {  	s17 =	sshll.u32 s0, $0xA;
	s2 =	sadd.s32 s3, s2  }
0x8d: {  	s2 =	sadd.s32 s2, s17  }
0x8e: {  	[smem:$0x3FC4] =	sst s2  }
0x8f: {  	_ = 	snop  }
0x90: {  	s2 =	sld [smem:$0x3FD0];
	(tm) =	ssettm $0x1  }
0x91: {  	s18 =	sld [smem:$0x3FFB];
	_ =	sdelay $0x3  }
0x92: {  	_ =	strace s18  }
0x93: {  	s3 =	sld [smem:$0x3FFC];
	_ =	sdelay $0x3  }
0x94: {  	_ =	strace s3  }
0x95: {  	s3 =	sld [smem:$0x3FFD];
	_ =	sdelay $0x3  }
0x96: {  	_ =	strace s3  }
0x97: {  	_ =	strace $0x8FFFFFFF  }
0x98: {  	s19 =	sld [smem:$0x3FDB];
	_ =	sdelay $0x1  }
0x99: {  	s4 =	simm.s32 $_scs_section_size  }
0x9a: {  	s5 =	simm.s32 $_size__tile_overlayer_lowered;
	s6 =	simm.s32 $_tile_overlayer_lowered  }
0x9b: {  	s22 =	simm.s32 $0x1BFF;
	s21 =	sshll.u32 s6, $0x1;
	s3 =	sadd.s32 s4, s19  }
0x9c: {  	s7 =	simm.s32 $0x0;
	s20 =	sshll.u32 s5, $0x1;
	s5 =	sadd.s32 s21, s3  }
0x9d: {  	[timem:s7], [sflag:s22] =	dma.local [hbm:s5], s20  }
0x9e: {  	_ =	swait.ge [sflag:s22], s20  }
0x9f: {  	s4 =	ssub.s32 $0x0, s20;
	[sflag:s22] =	ssyncset.done $0x0  }
0xa0: {  	[sflag:s22] =	ssyncadd.s32 s4;
	_ =	sdelay $0x1  }
0xa1: {  	s23 =	simm.s32 $0x1B8B  }
0xa2: {  	_ =	swait.ge [sflag:s23], $0x1  }
0xa3: {  	[sflag:s23] =	ssyncset.done $0x0  }
0xa4: {  	s25 =	simm.s32 $0x1B8E;
	s24 =	sld [smem:$0x3FFE];
	[sflag:s23] =	ssyncadd.s32 $0xFFFFFFFF  }
0xa5: {  	s26 =	simm.s32 $execute0_lowered;
	[smem:$0x3FD2] =	sst s25  }
0xa6: {  	s5 =	sshll.u32 s26, $0x1;
	_ =	strace $0x8000004C;
	[dreg:$0x1] =	wrdreg $0xFFFFFFFF  }
0xa7: {  	s28 =	simm.s32 $_size_execute0_lowered;
	s3 =	sadd.s32 s3, s5;
	[dreg:$0x0] =	wrdreg $0x0  }
0xa8: {  	s5 =	sshll.u32 s28, $0x1;
	[dreg:$0x2] =	wrdreg s3  }
0xa9: {  	[dreg:$0x3] =	wrdreg s5  }
0xaa: {  	[dreg:$0x4] =	wrdreg $0xC0  }
0xab: {  	_ =	task [dreg:s7], $0x5FFFF  }
0xac: {  	[dreg:$0x1] =	wrdreg $0xFFFFFFFF  }
0xad: {  	[dreg:$0x0] =	wrdreg $0x60  }
0xae: {  	[dreg:$0x2] =	wrdreg s2  }
0xaf: {  	[dreg:$0x3] =	wrdreg s24  }
0xb0: {  	[dreg:$0x4] =	wrdreg $0x9  }
0xb1: {  	_ =	task.clear_ibuf [dreg:s7], $0x5FFFF;
	_ =	strace $0x9000004C  }
0xb2: {  	s29 =	simm.s32 $0x9;
	_ =	strace $0x8000004E  }
0xb3: {  	_ =	swait.ge [sflag:s29], $0x1  }
0xb4: {  	[sflag:s29] =	ssyncadd.s32 $0xFFFFFFFF  }
0xb5: {  	_ =	strace $0x9000004E  }
0xb6: {  	_ =	sfence  }
0xb7: {  	s30 =	sld [smem:$0x0];
	_ =	sdelay $0x2  }
0xb8: {  	s31 =	sshll.u32 s1, $0xD;
	s1 =	sshrl.u32 s1, $0x2  }
0xb9: {  	s3 =	sand.u32 $0x4000, s31;
	s1 =	sadd.s32 s1, s30  }
0xba: {  	s0 =	sor.u32 s3, s0;
	s1 =	sshll.u32 s1, $0x11  }
0xbb: {  	s0 =	sor.u32 s1, s0  }
0xbc: {  	s0 =	sadd.s32 $0x8F2B, s0  }
0xbd: {  	[sflag:s0] =	ssyncadd.remote.s32 $0x1  }
0xbe: {  	_ =	sfence.sel $0xFFFF  }
0xbf: {  	[dreg:$0x0] =	wrdreg $0xFFFFFFFF;
	(pc) =	sbr.abs _section_cstart, $3  }
0xc0: {  	[dreg:$0x1] =	wrdreg $0xFFFFFFFF  }
0xc1: {  	_ =	task.clear_ibuf [dreg:s7], $0x2FFFF;
	_ =	strace $0x9FFFFFFF  }
0xc2: {  	(tm) =	ssettm $0x7FFFFFFF  }
0xc3: {  	_ =	shalt  }
tec
execute0_lowered:
.L_overlay_start_1:
0x0: {  	(tag) =	ssettag $0x1  }
0x1: {  	s2 =	rddreg [dreg:$0x0];
	s1 =	srdreg.scid  }
0x2: {  	s0 =	stileid.u32;
	s4 =	rddreg [dreg:$0x1];
	s3 =	simm.s32 $0x0  }
0x3: {  	s12 =	simm.s32 $0x280;
	s13 =	simm.s32 $0xA80;
	s14 =	simm.s32 $0x1280  }
0x4: {  	s15 =	simm.s32 $0x1A80;
	s16 =	simm.s32 $0x2280;
	s17 =	simm.s32 $0x2A80  }
0x5: {  	s18 =	simm.s32 $0x3280;
	s19 =	simm.s32 $0x3A80;
	s20 =	simm.s32 $0x4280  }
0x6: {  	s21 =	simm.s32 $0x4A80;
	s22 =	simm.s32 $0x5280;
	s23 =	simm.s32 $0x5A80  }
0x7: {  	s24 =	simm.s32 $0x6280;
	s25 =	simm.s32 $0x6A80;
	s26 =	simm.s32 $0x7280  }
0x8: {  	s28 =	simm.s32 $0x7A80;
	s5 =	sand.u32 $0x1, s1;
	s6 =	sshll.u32 s0, $0x1  }
0x9: {  	s29 =	simm.s32 $0x1;
	s1 =	rddreg [dreg:$0x2];
	s6 =	sor.u32 s5, s6  }
0xa: {  	s30 =	simm.s32 $0x2;
	[smem:$0x7FF] =	sst s3;
	s7 =	smul.u32 $0x50, s6  }
0xb: {  	s10 =	sadd.s32 $0x1200, s4;
	s5 =	ssub.s32 $0x2, s5;
	s8 =	smul.u32 $0x14000, s6  }
0xc: {  	_ =	strace $0x8000004D;
	s9 =	sshrl.u32 s5, $0x1;
	s6 =	smul.u32 $0x2800, s6  }
0xd: {  	s11 =	ssub.s32 s5, s9;
	s7 =	sadd.s32 s7, s4;
	s8 =	sshrl.u32 s8, $0x3  }
0xe: {  	v2 =	vlaneseq.u32;
	s5 =	sadd.s32 s10, s6;
	s4 =	sadd.s32 $0xAF400, s7;
	s31 =	sadd.s32 s10, s8  }
0xf: {  	vm0 =	vmmov $0xffff;
	v1 =	vshrl.u32 v2, $0x3;
	s10 =	smax.u32 s11, $0x1;
	s11 =	simm.s32 $0x3;
	s6 =	sadd.s32 $0x800, s31  }
0x10: {  	v0 =	vand.u32 $0x7, v2;
	v2 =	vor.u32 $0x8, v2;
	v1 =	vmul.u32 $0x8, v1;
	s7 =	sadd.s32 $0x1000, s31;
	s8 =	sadd.s32 $0x1800, s31;
	s9 =	sadd.s32 $0x2000, s31  }
.LBB2_1:
0x11: {  	[tilespmem:s3], [sflag:$0x3] =	stream.linear.gather [hbm4b:s4+s3], $0x280, $0x38;
	[tilespmem:$0x8280] =	vst v63  }
0x12: {  	_ =	swait.ge [sflag:s11], $0x280  }
0x13: {  	[sflag:s11] =	ssyncset.done $0x0  }
0x14: {  	[sflag:s11] =	ssyncadd.s32 $0xFFFFFD80  }
0x15: {  	v3 =	vld [tilespmem:$0x0];
	_ =	sdelay $0x4  }
0x16: {  	v4 =	vshll.u32 v3, $0x1  }
0x17: {  	v3 =	vand.u32 $0x7, v3;
	v4 =	vand.u32 $0xFFFFFFF0, v4  }
0x18: {  	v3 =	vor.u32 v3, v4  }
0x19: {  	v4 =	vperm.xlane v3, v0;
	_ =	sdelay $0x1  }
0x1a: {  	v3 =	vperm.xlane v3, v2;
	v4 =	vadd.s32 v1, v4;
	_ =	sdelay $0x1  }
0x1b: {  	v3 =	vadd.s32 v1, v3;
	_ =	sdelay $0x2  }
0x1c: {  	[tilespmem:s12], [sflag:$0x1] =	stream.indirect_vreg.gather [hbm4b:s2+s3], $0x80, v4, vm0, $0xb8;
	[tilespmem:$0x8280] =	vst v63  }
0x1d: {  	_ = 	snop  }
0x1e: {  	[tilespmem:s13], [sflag:$0x1] =	stream.indirect_vreg.gather [hbm4b:s2+s3], $0x80, v3, vm0, $0xb8;
	[tilespmem:$0x8280] =	vst v63  }
0x1f: {  	v3 =	vld [tilespmem:$0x10];
	_ =	sdelay $0x4  }
0x20: {  	v45 =	vshll.u32 v3, $0x1  }
0x21: {  	v3 =	vand.u32 $0x7, v3;
	v4 =	vand.u32 $0xFFFFFFF0, v45  }
0x22: {  	v3 =	vor.u32 v3, v4  }
0x23: {  	v4 =	vperm.xlane v3, v0;
	_ =	sdelay $0x1  }
0x24: {  	v3 =	vperm.xlane v3, v2;
	v4 =	vadd.s32 v1, v4;
	_ =	sdelay $0x1  }
0x25: {  	v3 =	vadd.s32 v1, v3;
	_ =	sdelay $0x2  }
0x26: {  	[tilespmem:s14], [sflag:$0x1] =	stream.indirect_vreg.gather [hbm4b:s2+s3], $0x80, v4, vm0, $0xb8;
	[tilespmem:$0x8280] =	vst v63  }
0x27: {  	_ = 	snop  }
0x28: {  	[tilespmem:s15], [sflag:$0x1] =	stream.indirect_vreg.gather [hbm4b:s2+s3], $0x80, v3, vm0, $0xb8;
	[tilespmem:$0x8280] =	vst v63  }
0x29: {  	v3 =	vld [tilespmem:$0x20];
	_ =	sdelay $0x4  }
0x2a: {  	v46 =	vshll.u32 v3, $0x1  }
0x2b: {  	v3 =	vand.u32 $0x7, v3;
	v4 =	vand.u32 $0xFFFFFFF0, v46  }
0x2c: {  	v3 =	vor.u32 v3, v4  }
0x2d: {  	v4 =	vperm.xlane v3, v0;
	_ =	sdelay $0x1  }
0x2e: {  	v3 =	vperm.xlane v3, v2;
	v4 =	vadd.s32 v1, v4;
	_ =	sdelay $0x1  }
0x2f: {  	v3 =	vadd.s32 v1, v3;
	_ =	sdelay $0x2  }
0x30: {  	[tilespmem:s16], [sflag:$0x1] =	stream.indirect_vreg.gather [hbm4b:s2+s3], $0x80, v4, vm0, $0xb8;
	[tilespmem:$0x8280] =	vst v63  }
0x31: {  	_ = 	snop  }
0x32: {  	[tilespmem:s17], [sflag:$0x1] =	stream.indirect_vreg.gather [hbm4b:s2+s3], $0x80, v3, vm0, $0xb8;
	[tilespmem:$0x8280] =	vst v63  }
0x33: {  	v3 =	vld [tilespmem:$0x30];
	_ =	sdelay $0x4  }
0x34: {  	v47 =	vshll.u32 v3, $0x1  }
0x35: {  	v3 =	vand.u32 $0x7, v3;
	v4 =	vand.u32 $0xFFFFFFF0, v47  }
0x36: {  	v3 =	vor.u32 v3, v4  }
0x37: {  	v4 =	vperm.xlane v3, v0;
	_ =	sdelay $0x1  }
0x38: {  	v3 =	vperm.xlane v3, v2;
	v4 =	vadd.s32 v1, v4;
	_ =	sdelay $0x1  }
0x39: {  	v3 =	vadd.s32 v1, v3;
	_ =	sdelay $0x2  }
0x3a: {  	[tilespmem:s18], [sflag:$0x1] =	stream.indirect_vreg.gather [hbm4b:s2+s3], $0x80, v4, vm0, $0xb8;
	[tilespmem:$0x8280] =	vst v63  }
0x3b: {  	_ = 	snop  }
0x3c: {  	[tilespmem:s19], [sflag:$0x1] =	stream.indirect_vreg.gather [hbm4b:s2+s3], $0x80, v3, vm0, $0xb8;
	[tilespmem:$0x8280] =	vst v63  }
0x3d: {  	v3 =	vld [tilespmem:$0x80];
	_ =	sdelay $0x4  }
0x3e: {  	v48 =	vshll.u32 v3, $0x1  }
0x3f: {  	v3 =	vand.u32 $0x7, v3;
	v4 =	vand.u32 $0xFFFFFFF0, v48  }
0x40: {  	v3 =	vor.u32 v3, v4  }
0x41: {  	v4 =	vperm.xlane v3, v0;
	_ =	sdelay $0x1  }
0x42: {  	v3 =	vperm.xlane v3, v2;
	v4 =	vadd.s32 v1, v4;
	_ =	sdelay $0x1  }
0x43: {  	v3 =	vadd.s32 v1, v3;
	_ =	sdelay $0x2  }
0x44: {  	[tilespmem:s20], [sflag:$0x2] =	stream.indirect_vreg.gather [hbm4b:s2+s3], $0x80, v4, vm0, $0xb8;
	[tilespmem:$0x8280] =	vst v63  }
0x45: {  	_ = 	snop  }
0x46: {  	[tilespmem:s21], [sflag:$0x2] =	stream.indirect_vreg.gather [hbm4b:s2+s3], $0x80, v3, vm0, $0xb8;
	[tilespmem:$0x8280] =	vst v63  }
0x47: {  	v3 =	vld [tilespmem:$0x90];
	_ =	sdelay $0x4  }
0x48: {  	v49 =	vshll.u32 v3, $0x1  }
0x49: {  	v3 =	vand.u32 $0x7, v3;
	v4 =	vand.u32 $0xFFFFFFF0, v49  }
0x4a: {  	v3 =	vor.u32 v3, v4  }
0x4b: {  	v4 =	vperm.xlane v3, v0;
	_ =	sdelay $0x1  }
0x4c: {  	v3 =	vperm.xlane v3, v2;
	v4 =	vadd.s32 v1, v4;
	_ =	sdelay $0x1  }
0x4d: {  	v3 =	vadd.s32 v1, v3;
	_ =	sdelay $0x2  }
0x4e: {  	[tilespmem:s22], [sflag:$0x2] =	stream.indirect_vreg.gather [hbm4b:s2+s3], $0x80, v4, vm0, $0xb8;
	[tilespmem:$0x8280] =	vst v63  }
0x4f: {  	_ = 	snop  }
0x50: {  	[tilespmem:s23], [sflag:$0x2] =	stream.indirect_vreg.gather [hbm4b:s2+s3], $0x80, v3, vm0, $0xb8;
	[tilespmem:$0x8280] =	vst v63  }
0x51: {  	v3 =	vld [tilespmem:$0xA0];
	_ =	sdelay $0x4  }
0x52: {  	v50 =	vshll.u32 v3, $0x1  }
0x53: {  	v3 =	vand.u32 $0x7, v3;
	v4 =	vand.u32 $0xFFFFFFF0, v50  }
0x54: {  	v3 =	vor.u32 v3, v4  }
0x55: {  	v4 =	vperm.xlane v3, v0;
	_ =	sdelay $0x1  }
0x56: {  	v3 =	vperm.xlane v3, v2;
	v4 =	vadd.s32 v1, v4;
	_ =	sdelay $0x1  }
0x57: {  	v3 =	vadd.s32 v1, v3;
	_ =	sdelay $0x2  }
0x58: {  	[tilespmem:s24], [sflag:$0x2] =	stream.indirect_vreg.gather [hbm4b:s2+s3], $0x80, v4, vm0, $0xb8;
	[tilespmem:$0x8280] =	vst v63  }
0x59: {  	_ = 	snop  }
0x5a: {  	[tilespmem:s25], [sflag:$0x2] =	stream.indirect_vreg.gather [hbm4b:s2+s3], $0x80, v3, vm0, $0xb8;
	[tilespmem:$0x8280] =	vst v63  }
0x5b: {  	v3 =	vld [tilespmem:$0xB0];
	_ =	sdelay $0x4  }
0x5c: {  	v51 =	vshll.u32 v3, $0x1  }
0x5d: {  	v3 =	vand.u32 $0x7, v3;
	v4 =	vand.u32 $0xFFFFFFF0, v51  }
0x5e: {  	v3 =	vor.u32 v3, v4  }
0x5f: {  	v4 =	vperm.xlane v3, v0;
	_ =	sdelay $0x1  }
0x60: {  	v3 =	vperm.xlane v3, v2;
	v4 =	vadd.s32 v1, v4;
	_ =	sdelay $0x1  }
0x61: {  	v3 =	vadd.s32 v1, v3;
	_ =	sdelay $0x2  }
0x62: {  	[tilespmem:s26], [sflag:$0x2] =	stream.indirect_vreg.gather [hbm4b:s2+s3], $0x80, v4, vm0, $0xb8;
	[tilespmem:$0x8280] =	vst v63  }
0x63: {  	_ = 	snop  }
0x64: {  	[tilespmem:s28], [sflag:$0x2] =	stream.indirect_vreg.gather [hbm4b:s2+s3], $0x80, v3, vm0, $0xb8;
	[tilespmem:$0x8280] =	vst v63  }
0x65: {  	_ =	swait.ge [sflag:s29], $0x4000  }
0x66: {  	[sflag:s29] =	ssyncset.done $0x0  }
0x67: {  	[sflag:s29] =	ssyncadd.s32 $0xFFFFC000  }
0x68: {  	[hbm4b:s5+s3] =	stream.linear.scatter [tilespmem:s12], [sflag:$0x3], $0x4000, $0x38;
	[tilespmem:$0x8280] =	vst v63  }
0x69: {  	_ =	swait.ge [sflag:s11], $0x4000  }
0x6a: {  	[sflag:s11] =	ssyncset.done $0x0  }
0x6b: {  	[sflag:s11] =	ssyncadd.s32 $0xFFFFC000  }
0x6c: {  	v3 =	vld [tilespmem:$0x100];
	_ =	sdelay $0x4  }
0x6d: {  	v52 =	vshll.u32 v3, $0x1  }
0x6e: {  	v3 =	vand.u32 $0x7, v3;
	v4 =	vand.u32 $0xFFFFFFF0, v52  }
0x6f: {  	v3 =	vor.u32 v3, v4  }
0x70: {  	v4 =	vperm.xlane v3, v0;
	_ =	sdelay $0x1  }
0x71: {  	v3 =	vperm.xlane v3, v2;
	v4 =	vadd.s32 v1, v4;
	_ =	sdelay $0x1  }
0x72: {  	v3 =	vadd.s32 v1, v3;
	_ =	sdelay $0x2  }
0x73: {  	[tilespmem:s12], [sflag:$0x1] =	stream.indirect_vreg.gather [hbm4b:s2+s3], $0x80, v4, vm0, $0xb8;
	[tilespmem:$0x8280] =	vst v63  }
0x74: {  	_ = 	snop  }
0x75: {  	[tilespmem:s13], [sflag:$0x1] =	stream.indirect_vreg.gather [hbm4b:s2+s3], $0x80, v3, vm0, $0xb8;
	[tilespmem:$0x8280] =	vst v63  }
0x76: {  	v3 =	vld [tilespmem:$0x110];
	_ =	sdelay $0x4  }
0x77: {  	v53 =	vshll.u32 v3, $0x1  }
0x78: {  	v3 =	vand.u32 $0x7, v3;
	v4 =	vand.u32 $0xFFFFFFF0, v53  }
0x79: {  	v3 =	vor.u32 v3, v4  }
0x7a: {  	v4 =	vperm.xlane v3, v0;
	_ =	sdelay $0x1  }
0x7b: {  	v3 =	vperm.xlane v3, v2;
	v4 =	vadd.s32 v1, v4;
	_ =	sdelay $0x1  }
0x7c: {  	v3 =	vadd.s32 v1, v3;
	_ =	sdelay $0x2  }
0x7d: {  	[tilespmem:s14], [sflag:$0x1] =	stream.indirect_vreg.gather [hbm4b:s2+s3], $0x80, v4, vm0, $0xb8;
	[tilespmem:$0x8280] =	vst v63  }
0x7e: {  	_ = 	snop  }
0x7f: {  	[tilespmem:s15], [sflag:$0x1] =	stream.indirect_vreg.gather [hbm4b:s2+s3], $0x80, v3, vm0, $0xb8;
	[tilespmem:$0x8280] =	vst v63  }
0x80: {  	v3 =	vld [tilespmem:$0x120];
	_ =	sdelay $0x4  }
0x81: {  	v54 =	vshll.u32 v3, $0x1  }
0x82: {  	v3 =	vand.u32 $0x7, v3;
	v4 =	vand.u32 $0xFFFFFFF0, v54  }
0x83: {  	v3 =	vor.u32 v3, v4  }
0x84: {  	v4 =	vperm.xlane v3, v0;
	_ =	sdelay $0x1  }
0x85: {  	v3 =	vperm.xlane v3, v2;
	v4 =	vadd.s32 v1, v4;
	_ =	sdelay $0x1  }
0x86: {  	v3 =	vadd.s32 v1, v3;
	_ =	sdelay $0x2  }
0x87: {  	[tilespmem:s16], [sflag:$0x1] =	stream.indirect_vreg.gather [hbm4b:s2+s3], $0x80, v4, vm0, $0xb8;
	[tilespmem:$0x8280] =	vst v63  }
0x88: {  	_ = 	snop  }
0x89: {  	[tilespmem:s17], [sflag:$0x1] =	stream.indirect_vreg.gather [hbm4b:s2+s3], $0x80, v3, vm0, $0xb8;
	[tilespmem:$0x8280] =	vst v63  }
0x8a: {  	v3 =	vld [tilespmem:$0x130];
	_ =	sdelay $0x4  }
0x8b: {  	v55 =	vshll.u32 v3, $0x1  }
0x8c: {  	v3 =	vand.u32 $0x7, v3;
	v4 =	vand.u32 $0xFFFFFFF0, v55  }
0x8d: {  	v3 =	vor.u32 v3, v4  }
0x8e: {  	v4 =	vperm.xlane v3, v0;
	_ =	sdelay $0x1  }
0x8f: {  	v3 =	vperm.xlane v3, v2;
	v4 =	vadd.s32 v1, v4;
	_ =	sdelay $0x1  }
0x90: {  	v3 =	vadd.s32 v1, v3;
	_ =	sdelay $0x2  }
0x91: {  	[tilespmem:s18], [sflag:$0x1] =	stream.indirect_vreg.gather [hbm4b:s2+s3], $0x80, v4, vm0, $0xb8;
	[tilespmem:$0x8280] =	vst v63  }
0x92: {  	_ = 	snop  }
0x93: {  	[tilespmem:s19], [sflag:$0x1] =	stream.indirect_vreg.gather [hbm4b:s2+s3], $0x80, v3, vm0, $0xb8;
	[tilespmem:$0x8280] =	vst v63  }
0x94: {  	_ =	swait.ge [sflag:s30], $0x4000  }
0x95: {  	[sflag:s30] =	ssyncset.done $0x0  }
0x96: {  	[sflag:s30] =	ssyncadd.s32 $0xFFFFC000  }
0x97: {  	[hbm4b:s6+s3] =	stream.linear.scatter [tilespmem:s20], [sflag:$0x3], $0x4000, $0x38;
	[tilespmem:$0x8280] =	vst v63  }
0x98: {  	_ =	swait.ge [sflag:s11], $0x4000  }
0x99: {  	[sflag:s11] =	ssyncset.done $0x0  }
0x9a: {  	[sflag:s11] =	ssyncadd.s32 $0xFFFFC000  }
0x9b: {  	v3 =	vld [tilespmem:$0x180];
	_ =	sdelay $0x4  }
0x9c: {  	v56 =	vshll.u32 v3, $0x1  }
0x9d: {  	v3 =	vand.u32 $0x7, v3;
	v4 =	vand.u32 $0xFFFFFFF0, v56  }
0x9e: {  	v3 =	vor.u32 v3, v4  }
0x9f: {  	v4 =	vperm.xlane v3, v0;
	_ =	sdelay $0x1  }
0xa0: {  	v3 =	vperm.xlane v3, v2;
	v4 =	vadd.s32 v1, v4;
	_ =	sdelay $0x1  }
0xa1: {  	v3 =	vadd.s32 v1, v3;
	_ =	sdelay $0x2  }
0xa2: {  	[tilespmem:s20], [sflag:$0x2] =	stream.indirect_vreg.gather [hbm4b:s2+s3], $0x80, v4, vm0, $0xb8;
	[tilespmem:$0x8280] =	vst v63  }
0xa3: {  	_ = 	snop  }
0xa4: {  	[tilespmem:s21], [sflag:$0x2] =	stream.indirect_vreg.gather [hbm4b:s2+s3], $0x80, v3, vm0, $0xb8;
	[tilespmem:$0x8280] =	vst v63  }
0xa5: {  	v3 =	vld [tilespmem:$0x190];
	_ =	sdelay $0x4  }
0xa6: {  	v57 =	vshll.u32 v3, $0x1  }
0xa7: {  	v3 =	vand.u32 $0x7, v3;
	v4 =	vand.u32 $0xFFFFFFF0, v57  }
0xa8: {  	v3 =	vor.u32 v3, v4  }
0xa9: {  	v4 =	vperm.xlane v3, v0;
	_ =	sdelay $0x1  }
0xaa: {  	v3 =	vperm.xlane v3, v2;
	v4 =	vadd.s32 v1, v4;
	_ =	sdelay $0x1  }
0xab: {  	v3 =	vadd.s32 v1, v3;
	_ =	sdelay $0x2  }
0xac: {  	[tilespmem:s22], [sflag:$0x2] =	stream.indirect_vreg.gather [hbm4b:s2+s3], $0x80, v4, vm0, $0xb8;
	[tilespmem:$0x8280] =	vst v63  }
0xad: {  	_ = 	snop  }
0xae: {  	[tilespmem:s23], [sflag:$0x2] =	stream.indirect_vreg.gather [hbm4b:s2+s3], $0x80, v3, vm0, $0xb8;
	[tilespmem:$0x8280] =	vst v63  }
0xaf: {  	v3 =	vld [tilespmem:$0x1A0];
	_ =	sdelay $0x4  }
0xb0: {  	v58 =	vshll.u32 v3, $0x1  }
0xb1: {  	v3 =	vand.u32 $0x7, v3;
	v4 =	vand.u32 $0xFFFFFFF0, v58  }
0xb2: {  	v3 =	vor.u32 v3, v4  }
0xb3: {  	v4 =	vperm.xlane v3, v0;
	_ =	sdelay $0x1  }
0xb4: {  	v3 =	vperm.xlane v3, v2;
	v4 =	vadd.s32 v1, v4;
	_ =	sdelay $0x1  }
0xb5: {  	v3 =	vadd.s32 v1, v3;
	_ =	sdelay $0x2  }
0xb6: {  	[tilespmem:s24], [sflag:$0x2] =	stream.indirect_vreg.gather [hbm4b:s2+s3], $0x80, v4, vm0, $0xb8;
	[tilespmem:$0x8280] =	vst v63  }
0xb7: {  	_ = 	snop  }
0xb8: {  	[tilespmem:s25], [sflag:$0x2] =	stream.indirect_vreg.gather [hbm4b:s2+s3], $0x80, v3, vm0, $0xb8;
	[tilespmem:$0x8280] =	vst v63  }
0xb9: {  	v3 =	vld [tilespmem:$0x1B0];
	_ =	sdelay $0x4  }
0xba: {  	v59 =	vshll.u32 v3, $0x1  }
0xbb: {  	v3 =	vand.u32 $0x7, v3;
	v4 =	vand.u32 $0xFFFFFFF0, v59  }
0xbc: {  	v3 =	vor.u32 v3, v4  }
0xbd: {  	v4 =	vperm.xlane v3, v0;
	_ =	sdelay $0x1  }
0xbe: {  	v3 =	vperm.xlane v3, v2;
	v4 =	vadd.s32 v1, v4;
	_ =	sdelay $0x1  }
0xbf: {  	v3 =	vadd.s32 v1, v3;
	_ =	sdelay $0x2  }
0xc0: {  	[tilespmem:s26], [sflag:$0x2] =	stream.indirect_vreg.gather [hbm4b:s2+s3], $0x80, v4, vm0, $0xb8;
	[tilespmem:$0x8280] =	vst v63  }
0xc1: {  	_ = 	snop  }
0xc2: {  	[tilespmem:s28], [sflag:$0x2] =	stream.indirect_vreg.gather [hbm4b:s2+s3], $0x80, v3, vm0, $0xb8;
	[tilespmem:$0x8280] =	vst v63  }
0xc3: {  	_ =	swait.ge [sflag:s29], $0x4000  }
0xc4: {  	[sflag:s29] =	ssyncset.done $0x0  }
0xc5: {  	[sflag:s29] =	ssyncadd.s32 $0xFFFFC000  }
0xc6: {  	[hbm4b:s7+s3] =	stream.linear.scatter [tilespmem:s12], [sflag:$0x3], $0x4000, $0x38;
	[tilespmem:$0x8280] =	vst v63  }
0xc7: {  	_ =	swait.ge [sflag:s11], $0x4000  }
0xc8: {  	[sflag:s11] =	ssyncset.done $0x0  }
0xc9: {  	[sflag:s11] =	ssyncadd.s32 $0xFFFFC000  }
0xca: {  	v3 =	vld [tilespmem:$0x200];
	_ =	sdelay $0x4  }
0xcb: {  	v60 =	vshll.u32 v3, $0x1  }
0xcc: {  	v3 =	vand.u32 $0x7, v3;
	v4 =	vand.u32 $0xFFFFFFF0, v60  }
0xcd: {  	v3 =	vor.u32 v3, v4  }
0xce: {  	v4 =	vperm.xlane v3, v0;
	_ =	sdelay $0x1  }
0xcf: {  	v3 =	vperm.xlane v3, v2;
	v4 =	vadd.s32 v1, v4;
	_ =	sdelay $0x1  }
0xd0: {  	v3 =	vadd.s32 v1, v3;
	_ =	sdelay $0x2  }
0xd1: {  	[tilespmem:s12], [sflag:$0x1] =	stream.indirect_vreg.gather [hbm4b:s2+s3], $0x80, v4, vm0, $0xb8;
	[tilespmem:$0x8280] =	vst v63  }
0xd2: {  	_ = 	snop  }
0xd3: {  	[tilespmem:s13], [sflag:$0x1] =	stream.indirect_vreg.gather [hbm4b:s2+s3], $0x80, v3, vm0, $0xb8;
	[tilespmem:$0x8280] =	vst v63  }
0xd4: {  	v3 =	vld [tilespmem:$0x210];
	_ =	sdelay $0x4  }
0xd5: {  	v61 =	vshll.u32 v3, $0x1  }
0xd6: {  	v3 =	vand.u32 $0x7, v3;
	v4 =	vand.u32 $0xFFFFFFF0, v61  }
0xd7: {  	v3 =	vor.u32 v3, v4  }
0xd8: {  	v4 =	vperm.xlane v3, v0;
	_ =	sdelay $0x1  }
0xd9: {  	v3 =	vperm.xlane v3, v2;
	v4 =	vadd.s32 v1, v4;
	_ =	sdelay $0x1  }
0xda: {  	v3 =	vadd.s32 v1, v3;
	_ =	sdelay $0x2  }
0xdb: {  	[tilespmem:s14], [sflag:$0x1] =	stream.indirect_vreg.gather [hbm4b:s2+s3], $0x80, v4, vm0, $0xb8;
	[tilespmem:$0x8280] =	vst v63  }
0xdc: {  	_ = 	snop  }
0xdd: {  	[tilespmem:s15], [sflag:$0x1] =	stream.indirect_vreg.gather [hbm4b:s2+s3], $0x80, v3, vm0, $0xb8;
	[tilespmem:$0x8280] =	vst v63  }
0xde: {  	v3 =	vld [tilespmem:$0x220];
	_ =	sdelay $0x4  }
0xdf: {  	v62 =	vshll.u32 v3, $0x1  }
0xe0: {  	v3 =	vand.u32 $0x7, v3;
	v4 =	vand.u32 $0xFFFFFFF0, v62  }
0xe1: {  	v3 =	vor.u32 v3, v4  }
0xe2: {  	v4 =	vperm.xlane v3, v0;
	_ =	sdelay $0x1  }
0xe3: {  	v3 =	vperm.xlane v3, v2;
	v4 =	vadd.s32 v1, v4;
	_ =	sdelay $0x1  }
0xe4: {  	v3 =	vadd.s32 v1, v3;
	_ =	sdelay $0x2  }
0xe5: {  	[tilespmem:s16], [sflag:$0x1] =	stream.indirect_vreg.gather [hbm4b:s2+s3], $0x80, v4, vm0, $0xb8;
	[tilespmem:$0x8280] =	vst v63  }
0xe6: {  	_ = 	snop  }
0xe7: {  	[tilespmem:s17], [sflag:$0x1] =	stream.indirect_vreg.gather [hbm4b:s2+s3], $0x80, v3, vm0, $0xb8;
	[tilespmem:$0x8280] =	vst v63  }
0xe8: {  	v3 =	vld [tilespmem:$0x230];
	_ =	sdelay $0x4  }
0xe9: {  	v63 =	vshll.u32 v3, $0x1  }
0xea: {  	v3 =	vand.u32 $0x7, v3;
	v4 =	vand.u32 $0xFFFFFFF0, v63  }
0xeb: {  	v3 =	vor.u32 v3, v4  }
0xec: {  	v4 =	vperm.xlane v3, v0;
	_ =	sdelay $0x1  }
0xed: {  	v3 =	vperm.xlane v3, v2;
	v4 =	vadd.s32 v1, v4;
	_ =	sdelay $0x1  }
0xee: {  	v3 =	vadd.s32 v1, v3;
	_ =	sdelay $0x2  }
0xef: {  	[tilespmem:s18], [sflag:$0x1] =	stream.indirect_vreg.gather [hbm4b:s2+s3], $0x80, v4, vm0, $0xb8;
	[tilespmem:$0x8280] =	vst v63  }
0xf0: {  	_ = 	snop  }
0xf1: {  	[tilespmem:s19], [sflag:$0x1] =	stream.indirect_vreg.gather [hbm4b:s2+s3], $0x80, v3, vm0, $0xb8;
	[tilespmem:$0x8280] =	vst v63  }
0xf2: {  	_ =	swait.ge [sflag:s30], $0x4000  }
0xf3: {  	[sflag:s30] =	ssyncset.done $0x0  }
0xf4: {  	[sflag:s30] =	ssyncadd.s32 $0xFFFFC000  }
0xf5: {  	[hbm4b:s8+s3] =	stream.linear.scatter [tilespmem:s20], [sflag:$0x3], $0x4000, $0x38;
	[tilespmem:$0x8280] =	vst v63  }
0xf6: {  	_ =	swait.ge [sflag:s11], $0x4000  }
0xf7: {  	[sflag:s11] =	ssyncset.done $0x0  }
0xf8: {  	[sflag:s11] =	ssyncadd.s32 $0xFFFFC000  }
0xf9: {  	_ =	swait.ge [sflag:s29], $0x4000  }
0xfa: {  	p0 =	sne.s32 s10, $0x1;
	[sflag:s29] =	ssyncset.done $0x0  }
.Ltmp0:
0xfb: {  	[sflag:s29] =	ssyncadd.s32 $0xFFFFC000;
	(pc) =	sbr.rel @p0 .LBB2_1-.Ltmp0, $4  }
0xfc: {  	[hbm4b:s9+s3] =	stream.linear.scatter [tilespmem:s12], [sflag:$0x3], $0x4000, $0x38;
	[tilespmem:$0x8280] =	vst v63  }
0xfd: {  	_ =	swait.ge [sflag:s11], $0x4000  }
0xfe: {  	[sflag:s11] =	ssyncset.done $0x0  }
0xff: {  	s10 =	sadd.s32 $0xFFFFFFFF, s10;
	[sflag:s11] =	ssyncadd.s32 $0xFFFFC000  }
0x100: {  	_ =	sfence.sel $0x180000  }
0x101: {  	[bflag:$0x0] =	sbarrier.arrive $0xFFFF  }
0x102: {  	p0 =	sne.s32 s0, $0x0;
	_ =	strace $0x9000004D  }
0x103: {  	s0 =	sadd.s32 @!p0 $0x100000, s1;
	[bflag:$0x2] =	sbarrier.arrive $0xFFFF  }
0x104: {  	[sflag:s0] =	ssyncadd.tile.s32 @!p0 $0x1;
	_ =	shalt  }
.Lfunc_end2:
_tile_overlayer_lowered:
.L_overlay_start_2:
0x105: {  	(tag) =	ssettag $0x2  }
0x106: {  	s0 =	rddreg [dreg:$0x0];
	s2 =	stileid.u32  }
0x107: {  	s1 =	rddreg [dreg:$0x1];
	p0 =	sne.s32 s2, $0x0  }
0x108: {  	s3 =	rddreg [dreg:$0x2];
	[bflag:$0x3] =	sbarrier.arrive $0xFFFF;
	s2 =	simm.s32 @!p0 $0x1C03  }
0x109: {  	[timem:s3], [sflag:s2] =	dma.local @!p0 [hbm:s0], s1  }
0x10a: {  	s0 =	simm.s32 @!p0 $0x3  }
0x10b: {  	_ =	swait.ge @!p0 [sflag:s0], s1  }
0x10c: {  	s1 =	ssub.s32 @!p0 $0x0, s1;
	[sflag:s0] =	ssyncset.done @!p0 $0x0  }
0x10d: {  	[sflag:s0] =	ssyncadd.s32 @!p0 s1  }
0x10e: {  	[bflag:$0x3] =	sbarrier.arrive $0xFFFF  }
0x10f: {  	_ =	shalt  }

// kernel: kernel.6.cloned.1.call-start
scs
__scs_entry_jumppad:
0x0: {  	(pc) =	sbr.rel $0x88, $3  }
0x1: {  	(tag) =	ssettag $0x0;
	lr =	simm.s32 $0x1  }
0x2: {  	[smem:$0x3F9D] =	sst lr;
	_ =	strace $0xD0000000  }
0x3: {  	_ = 	snop  }
0x4: {  	_ = 	snop  }
0x5: {  	_ = 	snop  }
0x6: {  	_ = 	snop  }
0x7: {  	_ = 	snop  }
__scs_overlays_trampoline_lowered:
0x8: {  	[smem:$0x3FAC] =	sst s0  }
0x9: {  	[smem:$0x3FAD] =	sst s1  }
0xa: {  	[smem:$0x3FAE] =	sst s2  }
0xb: {  	[smem:$0x3FAF] =	sst s3  }
0xc: {  	[smem:$0x3FB0] =	sst s4  }
0xd: {  	[smem:$0x3FB1] =	sst s5  }
0xe: {  	[smem:$0x3FB2] =	sst s6  }
0xf: {  	[smem:$0x3FB3] =	sst s7  }
0x10: {  	[smem:$0x3FB4] =	sst s8  }
0x11: {  	[smem:$0x3FB5] =	sst s9;
	s0 =	simm.s32 @!p0 $0x0  }
0x12: {  	s1 =	sld [smem:$0x3F9B];
	s0 =	simm.s32 @p0 $0x1  }
0x13: {  	[smem:$0x3FB6] =	sst s0;
	s0 =	simm.s32 @!p1 $0x0  }
0x14: {  	s2 =	sld [smem:$0x3F9A];
	s0 =	simm.s32 @p1 $0x1  }
0x15: {  	[smem:$0x3FB7] =	sst s0;
	s0 =	simm.s32 @!p2 $0x0  }
0x16: {  	s3 =	sld [smem:$0x3FDB];
	s0 =	simm.s32 @p2 $0x1  }
0x17: {  	s4 =	simm.s32 $0x1BF5;
	[smem:$0x3FB9] =	sst s0  }
0x18: {  	s0 =	sld [smem:$0x3F9C];
	_ =	swait.ge [sflag:s4], $0x0  }
0x19: {  	s7 =	sld [smem:$0x3F9D]  }
0x1a: {  	s8 =	sadd.s32 $0xFFFFE003, lr  }
0x1b: {  	s9 =	sadd.s32 $0xFFFFFEF7, lr;
	s5 =	simm.s32 $0xFFFFFFFF;
	p2 =	slt.u32 s8, $0xFFFFF086  }
0x1c: {  	p1 =	slt.u32 s9, $0xF7A;
	s5 =	simm.s32 @!p2 $0x0  }
0x1d: {  	s5 =	simm.s32 @p1 $0x1;
	p0 =	seq.s32 s7, s2  }
0x1e: {  	s7 =	smul.u32 @!p0 $0xF7A, s2;
	p2 =	seq.s32 @!p0 s5, $0x0  }
0x1f: {  	s9 =	smul.u32 $0xF7A, s1;
	s8 =	simm.s32 @!p0 $0x1BF5;
	p2 =	por !p2, p0  }
0x20: {  	[sflag:s8] =	ssyncset.s32 @!p0 $0xFFFFF086;
	s6 =	sadd.s32 @!p0 s3, s7;
	s7 =	simm.s32 @!p0 $0x108  }
0x21: {  	s3 =	sadd.s32 s3, s9;
	s6 =	sadd.s32 @!p0 $0x88, s6;
	s7 =	simm.s32 @p2 $0x1082  }
0x22: {  	[simem:s7], [sflag:s8] =	dma.local @!p0 [hbm:s6], $0xF7A  }
0x23: {  	s9 =	sor.u32 $0xD0000000, s2;
	s6 =	simm.s32 $0x108;
	_ =	swait.ge @!p0 [sflag:s8], $0x0  }
0x24: {  	s3 =	sadd.s32 $0x88, s3;
	s6 =	simm.s32 @!p1 $0x1082;
	[sflag:s4] =	ssyncset.s32 $0xFFFFF086  }
0x25: {  	[simem:s6], [sflag:s4] =	dma.local [hbm:s3], $0xF7A  }
0x26: {  	[smem:$0x3F9D] =	sst s1;
	(tag) =	ssettag s2;
	_ =	strace s9  }
0x27: {  	s1 =	sld [smem:$0x3FAD]  }
0x28: {  	s2 =	sld [smem:$0x3FAE]  }
0x29: {  	s4 =	sld [smem:$0x3FB0]  }
0x2a: {  	p0 =	seq.s32 s5, $0x0;
	s5 =	sld [smem:$0x3FB1]  }
0x2b: {  	s6 =	sld [smem:$0x3FB2]  }
0x2c: {  	s7 =	sld [smem:$0x3FB3]  }
0x2d: {  	s3 =	simm.s32 $0x108;
	s8 =	sld [smem:$0x3FB4]  }
0x2e: {  	s3 =	simm.s32 @!p0 $0x1082;
	s9 =	sld [smem:$0x3FB5]  }
0x2f: {  	lr =	sadd.s32 s0, s3;
	s0 =	sld [smem:$0x3FAC]  }
0x30: {  	s3 =	sld [smem:$0x3FAF]  }
0x31: {  	[smem:$0x3FB8] =	sst s10  }
0x32: {  	s10 =	sld [smem:$0x3FB6];
	_ =	sdelay $0x3  }
0x33: {  	p0 =	seq.s32 s10, $0x1;
	s10 =	sld [smem:$0x3FB8];
	_ =	sdelay $0x3  }
0x34: {  	[smem:$0x3FB8] =	sst s10  }
0x35: {  	s10 =	sld [smem:$0x3FB7];
	_ =	sdelay $0x3  }
0x36: {  	p1 =	seq.s32 s10, $0x1;
	s10 =	sld [smem:$0x3FB8];
	_ =	sdelay $0x3  }
0x37: {  	[smem:$0x3FB8] =	sst s10  }
0x38: {  	s10 =	sld [smem:$0x3FB9]  }
0x39: {  	_ = 	snop;
	(pc) =	sbr.ind lr, $3  }
0x3a: {  	_ = 	snop  }
0x3b: {  	_ = 	snop  }
0x3c: {  	p2 =	seq.s32 s10, $0x1;
	s10 =	sld [smem:$0x3FB8]  }
0x3d: {  	_ =	shalt  }
0x3e: {  	_ =	shalt  }
0x3f: {  	_ =	shalt  }
0x40: {  	_ =	shalt  }
0x41: {  	_ =	shalt  }
0x42: {  	_ =	shalt  }
0x43: {  	_ =	shalt  }
0x44: {  	_ =	shalt  }
0x45: {  	_ =	shalt  }
0x46: {  	_ =	shalt  }
0x47: {  	_ =	shalt  }
0x48: {  	_ =	shalt  }
0x49: {  	_ =	shalt  }
0x4a: {  	_ =	shalt  }
0x4b: {  	_ =	shalt  }
0x4c: {  	_ =	shalt  }
0x4d: {  	_ =	shalt  }
0x4e: {  	_ =	shalt  }
0x4f: {  	_ =	shalt  }
0x50: {  	_ =	shalt  }
0x51: {  	_ =	shalt  }
0x52: {  	_ =	shalt  }
0x53: {  	_ =	shalt  }
0x54: {  	_ =	shalt  }
0x55: {  	_ =	shalt  }
0x56: {  	_ =	shalt  }
0x57: {  	_ =	shalt  }
0x58: {  	_ =	shalt  }
0x59: {  	_ =	shalt  }
0x5a: {  	_ =	shalt  }
0x5b: {  	_ =	shalt  }
0x5c: {  	_ =	shalt  }
0x5d: {  	_ =	shalt  }
0x5e: {  	_ =	shalt  }
0x5f: {  	_ =	shalt  }
0x60: {  	_ =	shalt  }
0x61: {  	_ =	shalt  }
0x62: {  	_ =	shalt  }
0x63: {  	_ =	shalt  }
0x64: {  	_ =	shalt  }
0x65: {  	_ =	shalt  }
0x66: {  	_ =	shalt  }
0x67: {  	_ =	shalt  }
0x68: {  	_ =	shalt  }
0x69: {  	_ =	shalt  }
0x6a: {  	_ =	shalt  }
0x6b: {  	_ =	shalt  }
0x6c: {  	_ =	shalt  }
0x6d: {  	_ =	shalt  }
0x6e: {  	_ =	shalt  }
0x6f: {  	_ =	shalt  }
0x70: {  	_ =	shalt  }
0x71: {  	_ =	shalt  }
0x72: {  	_ =	shalt  }
0x73: {  	_ =	shalt  }
0x74: {  	_ =	shalt  }
0x75: {  	_ =	shalt  }
0x76: {  	_ =	shalt  }
0x77: {  	_ =	shalt  }
0x78: {  	_ =	shalt  }
0x79: {  	_ =	shalt  }
0x7a: {  	_ =	shalt  }
0x7b: {  	_ =	shalt  }
0x7c: {  	_ =	shalt  }
0x7d: {  	_ =	shalt  }
0x7e: {  	_ =	shalt  }
0x7f: {  	_ =	shalt  }
0x80: {  	_ =	shalt  }
0x81: {  	_ =	shalt  }
0x82: {  	_ =	shalt  }
0x83: {  	_ =	shalt  }
0x84: {  	_ =	shalt  }
0x85: {  	_ =	shalt  }
0x86: {  	_ =	shalt  }
0x87: {  	_ =	shalt  }
.Lfunc_end0:
.L_simem_size_0:
called_computation_lowered:
.L_overlay_start_0:
0x88: {  	s2 =	sld [smem:$0x3FD9]  }
0x89: {  	s3 =	sld [smem:$0x3FFE];
	_ =	sdelay $0x1  }
0x8a: {  	s1 =	srdreg.scid  }
0x8b: {  	s0 =	sand.u32 $0x1, s1  }
0x8c: {  	s17 =	sshll.u32 s0, $0xA;
	s2 =	sadd.s32 s3, s2  }
0x8d: {  	s2 =	sadd.s32 s2, s17  }
0x8e: {  	[smem:$0x3FC4] =	sst s2  }
0x8f: {  	_ = 	snop  }
0x90: {  	s2 =	sld [smem:$0x3FD0];
	(tm) =	ssettm $0x1  }
0x91: {  	s18 =	sld [smem:$0x3FFB];
	_ =	sdelay $0x3  }
0x92: {  	_ =	strace s18  }
0x93: {  	s3 =	sld [smem:$0x3FFC];
	_ =	sdelay $0x3  }
0x94: {  	_ =	strace s3  }
0x95: {  	s3 =	sld [smem:$0x3FFD];
	_ =	sdelay $0x3  }
0x96: {  	_ =	strace s3  }
0x97: {  	_ =	strace $0x8FFFFFFF  }
0x98: {  	s19 =	sld [smem:$0x3FDB];
	_ =	sdelay $0x1  }
0x99: {  	s4 =	simm.s32 $_scs_section_size  }
0x9a: {  	s5 =	simm.s32 $_size__tile_overlayer_lowered;
	s6 =	simm.s32 $_tile_overlayer_lowered  }
0x9b: {  	s22 =	simm.s32 $0x1BFF;
	s21 =	sshll.u32 s6, $0x1;
	s3 =	sadd.s32 s4, s19  }
0x9c: {  	s7 =	simm.s32 $0x0;
	s20 =	sshll.u32 s5, $0x1;
	s5 =	sadd.s32 s21, s3  }
0x9d: {  	[timem:s7], [sflag:s22] =	dma.local [hbm:s5], s20  }
0x9e: {  	_ =	swait.ge [sflag:s22], s20  }
0x9f: {  	s4 =	ssub.s32 $0x0, s20;
	[sflag:s22] =	ssyncset.done $0x0  }
0xa0: {  	[sflag:s22] =	ssyncadd.s32 s4;
	_ =	sdelay $0x1  }
0xa1: {  	s23 =	simm.s32 $0x1B8B  }
0xa2: {  	_ =	swait.ge [sflag:s23], $0x1  }
0xa3: {  	[sflag:s23] =	ssyncset.done $0x0  }
0xa4: {  	s25 =	simm.s32 $0x1B8E;
	s24 =	sld [smem:$0x3FFE];
	[sflag:s23] =	ssyncadd.s32 $0xFFFFFFFF  }
0xa5: {  	s26 =	simm.s32 $execute0_lowered;
	[smem:$0x3FD2] =	sst s25  }
0xa6: {  	s5 =	sshll.u32 s26, $0x1;
	_ =	strace $0x80000046;
	[dreg:$0x1] =	wrdreg $0xFFFFFFFF  }
0xa7: {  	s28 =	simm.s32 $_size_execute0_lowered;
	s3 =	sadd.s32 s3, s5;
	[dreg:$0x0] =	wrdreg $0x0  }
0xa8: {  	s5 =	sshll.u32 s28, $0x1;
	[dreg:$0x2] =	wrdreg s3  }
0xa9: {  	[dreg:$0x3] =	wrdreg s5  }
0xaa: {  	[dreg:$0x4] =	wrdreg $0xC0  }
0xab: {  	_ =	task [dreg:s7], $0x5FFFF  }
0xac: {  	[dreg:$0x1] =	wrdreg $0xFFFFFFFF  }
0xad: {  	[dreg:$0x0] =	wrdreg $0x60  }
0xae: {  	[dreg:$0x2] =	wrdreg s2  }
0xaf: {  	[dreg:$0x3] =	wrdreg s24  }
0xb0: {  	[dreg:$0x4] =	wrdreg $0x94000  }
0xb1: {  	[dreg:$0x5] =	wrdreg $0x9  }
0xb2: {  	_ =	task.clear_ibuf [dreg:s7], $0x6FFFF;
	_ =	strace $0x90000046  }
0xb3: {  	s29 =	simm.s32 $0x9;
	_ =	strace $0x80000048  }
0xb4: {  	_ =	swait.ge [sflag:s29], $0x1  }
0xb5: {  	[sflag:s29] =	ssyncadd.s32 $0xFFFFFFFF  }
0xb6: {  	_ =	strace $0x90000048  }
0xb7: {  	_ =	sfence  }
0xb8: {  	s30 =	sld [smem:$0x0];
	_ =	sdelay $0x2  }
0xb9: {  	s31 =	sshll.u32 s1, $0xD;
	s1 =	sshrl.u32 s1, $0x2  }
0xba: {  	s3 =	sand.u32 $0x4000, s31;
	s1 =	sadd.s32 s1, s30  }
0xbb: {  	s0 =	sor.u32 s3, s0;
	s1 =	sshll.u32 s1, $0x11  }
0xbc: {  	s0 =	sor.u32 s1, s0  }
0xbd: {  	s0 =	sadd.s32 $0x8F2B, s0  }
0xbe: {  	[sflag:s0] =	ssyncadd.remote.s32 $0x1  }
0xbf: {  	_ =	sfence.sel $0xFFFF  }
0xc0: {  	[dreg:$0x0] =	wrdreg $0xFFFFFFFF;
	(pc) =	sbr.abs _section_cstart, $3  }
0xc1: {  	[dreg:$0x1] =	wrdreg $0xFFFFFFFF  }
0xc2: {  	_ =	task.clear_ibuf [dreg:s7], $0x2FFFF;
	_ =	strace $0x9FFFFFFF  }
0xc3: {  	(tm) =	ssettm $0x7FFFFFFF  }
tec
execute0_lowered:
.L_overlay_start_1:
0x0: {  	(tag) =	ssettag $0x1  }
0x1: {  	s1 =	rddreg [dreg:$0x0]  }
0x2: {  	s0 =	srdreg.scid;
	s8 =	rddreg [dreg:$0x1]  }
0x3: {  	s3 =	rddreg [dreg:$0x2];
	s4 =	simm.s32 $0x0;
	s15 =	simm.s32 $0x2800  }
0x4: {  	s16 =	simm.s32 $0x2C00;
	s7 =	sand.u32 $0x1, s0;
	s0 =	stileid.u32  }
0x5: {  	s17 =	simm.s32 $0x80;
	s18 =	simm.s32 $0x1;
	s6 =	smul.u32 $0x500, s0  }
0x6: {  	s19 =	simm.s32 $0x0;
	[smem:$0x7FF] =	sst s4;
	s11 =	smul.u32 $0x27800, s7  }
0x7: {  	s2 =	sshll.u32 s7, $0x4;
	s12 =	ssub.s32 $0x2, s7;
	s13 =	smul.u32 $0x50000, s0  }
0x8: {  	p0 =	seq.s32 s0, $0xF;
	s7 =	simm.s32 $0x4;
	s14 =	smul.u32 $0x2800, s0  }
0x9: {  	s5 =	sor.u32 s0, s2;
	s2 =	rddreg [dreg:$0x3];
	_ =	strace $0x80000047  }
0xa: {  	s30 =	sshrl.u32 s12, $0x1;
	s7 =	simm.s32 @!p0 $0x5;
	s5 =	smul.u32 $0x500, s5  }
0xb: {  	s10 =	sadd.s32 s6, s8;
	s6 =	sadd.s32 $0x10A00, s8;
	s11 =	sadd.s32 s11, s8  }
0xc: {  	s13 =	sshrl.u32 s13, $0x2;
	s12 =	ssub.s32 s12, s30;
	s10 =	sadd.s32 $0xB200, s10  }
0xd: {  	s31 =	sadd.s32 s14, s11;
	s11 =	smax.u32 s12, $0x1;
	s14 =	simm.s32 $0x2  }
0xe: {  	s9 =	sadd.s32 s5, s8;
	s5 =	sadd.s32 $0x10200, s8;
	s8 =	sadd.s32 s13, s3  }
0xf: {  	s12 =	sadd.s32 $0x10C00, s31;
	s13 =	simm.s32 $0x5400;
	s9 =	sadd.s32 $0x1200, s9  }
.LBB2_1:
0x10: {  	[tilespmem:s13], [sflag:$0x2] =	stream.linear.gather [hbm4b:s5+s4], $0x4000, $0x38;
	[tilespmem:$0x1D000] =	vst v63  }
0x11: {  	p0 =	sne.s32 s7, $0x1;
	_ =	swait.ge [sflag:s14], $0x4000  }
.Ltmp0:
0x12: {  	[sflag:s14] =	ssyncset.done $0x0;
	(pc) =	sbr.rel @!p0 .LBB2_3-.Ltmp0, $4  }
0x13: {  	[sflag:s14] =	ssyncadd.s32 $0xFFFFC000  }
0x14: {  	[spmem:s8] =	stream.linear.scatter [tilespmem:s13], [sflag:$0x2], $0x4000, $0x38;
	[tilespmem:$0x1D000] =	vst v63  }
0x15: {  	_ =	swait.ge [sflag:s14], $0x4000  }
0x16: {  	s20 =	sadd.s32 $0xFFFFFFFF, s7;
	s21 =	smov.u32 s8;
	[sflag:s14] =	ssyncset.done $0x0  }
.LBB2_2:
0x17: {  	p1 =	sne.s32 s20, $0x1;
	[sflag:s14] =	ssyncadd.s32 $0xFFFFC000;
	s21 =	sadd.s32 $0x4000, s21  }
.Ltmp1:
0x18: {  	s20 =	sadd.s32 $0xFFFFFFFF, s20;
	(pc) =	sbr.rel @p1 .LBB2_2-.Ltmp1, $4  }
0x19: {  	_ = 	snop  }
0x1a: {  	[spmem:s21] =	stream.linear.scatter [tilespmem:s13], [sflag:$0x2], $0x4000, $0x38;
	[tilespmem:$0x1D000] =	vst v63  }
0x1b: {  	_ =	swait.ge [sflag:s14], $0x4000  }
0x1c: {  	[sflag:s14] =	ssyncset.done $0x0  }
.LBB2_3:
0x1d: {  	[sflag:s14] =	ssyncadd.s32 $0xFFFFC000;
	s20 =	simm.s32 $0x0  }
0x1e: {  	[tilespmem:s20], [sflag:$0x2] =	stream.linear.gather [hbm4b:s9+s20], $0x2800, $0x38;
	[tilespmem:$0x1D000] =	vst v63  }
0x1f: {  	_ =	swait.ge [sflag:s14], $0x2800  }
0x20: {  	[sflag:s14] =	ssyncset.done $0x0  }
0x21: {  	[sflag:s14] =	ssyncadd.s32 $0xFFFFD800  }
0x22: {  	[tilespmem:s15], [sflag:$0x2] =	stream.linear.gather [hbm4b:s6+s20], $0x400, $0x38;
	[tilespmem:$0x1D000] =	vst v63  }
0x23: {  	_ =	swait.ge [sflag:s14], $0x400  }
0x24: {  	[sflag:s14] =	ssyncset.done $0x0  }
0x25: {  	[sflag:s14] =	ssyncadd.s32 $0xFFFFFC00  }
0x26: {  	[tilespmem:s16], [sflag:$0x2] =	stream.linear.gather [hbm4b:s10+s20], $0x2800, $0x38;
	[tilespmem:$0x1D000] =	vst v63  }
0x27: {  	_ =	swait.ge [sflag:s14], $0x2800  }
0x28: {  	[sflag:s14] =	ssyncset.done $0x0  }
0x29: {  	[sflag:s14] =	ssyncadd.s32 $0xFFFFD800  }
0x2a: {  	s30 =	simm.s32 $0x0;
	[bflag:$0x0] =	sbarrier.arrive $0xFFFF  }
0x2b: {  	[tilespmem:s13], [sflag:$0x1] =	stream.indirect.gather [hbm4b:s1+s17], $0x80, s30, s17, $0xb8;
	[tilespmem:$0x1D000] =	vst v63  }
0x2c: {  	_ =	swait.ge [sflag:s18], $0x4000  }
0x2d: {  	[sflag:s18] =	ssyncset.done $0x0  }
0x2e: {  	s31 =	simm.s32 $0x2C00;
	[sflag:s18] =	ssyncadd.s32 $0xFFFFC000  }
0x2f: {  	[spmem:s3] =	stream.indirect.scatter.add.f32 [tilespmem:s13], [sflag:$0x2], $0x80, s31, s17, $0xb8;
	[tilespmem:$0x1D000] =	vst v63  }
0x30: {  	_ =	swait.ge [sflag:s14], $0x4000  }
0x31: {  	s21 =	simm.s32 $0x400;
	s20 =	simm.s32 $0x200;
	[sflag:s14] =	ssyncset.done $0x0  }
.LBB2_4:
0x32: {  	s22 =	sshra.s32 s20, $0x2  }
0x33: {  	[sflag:s14] =	ssyncadd.s32 $0xFFFFC000;
	s20 =	smov.u32 s21;
	s23 =	sadd.s32 $0x200, s21  }
0x34: {  	[tilespmem:s13], [sflag:$0x1] =	stream.indirect.gather [hbm4b:s1+s17], $0x80, s22, s17, $0xb8;
	[tilespmem:$0x1D000] =	vst v63  }
0x35: {  	p1 =	sne.s32 s21, $0x9E00;
	_ =	swait.ge [sflag:s18], $0x4000  }
.Ltmp2:
0x36: {  	[sflag:s18] =	ssyncset.done $0x0;
	(pc) =	sbr.rel @p1 .LBB2_4-.Ltmp2, $4  }
0x37: {  	s21 =	sadd.s32 $0x2C00, s22;
	[sflag:s18] =	ssyncadd.s32 $0xFFFFC000  }
0x38: {  	[spmem:s3] =	stream.indirect.scatter.add.f32 [tilespmem:s13], [sflag:$0x2], $0x80, s21, s17, $0xb8;
	[tilespmem:$0x1D000] =	vst v63  }
0x39: {  	_ =	swait.ge [sflag:s14], $0x4000  }
0x3a: {  	s21 =	smov.u32 s23;
	[sflag:s14] =	ssyncset.done $0x0  }
0x3b: {  	s20 =	sshra.s32 s20, $0x2;
	[sflag:s14] =	ssyncadd.s32 $0xFFFFC000  }
0x3c: {  	[tilespmem:s13], [sflag:$0x1] =	stream.indirect.gather [hbm4b:s1+s17], $0x80, s20, s17, $0xb8;
	[tilespmem:$0x1D000] =	vst v63  }
0x3d: {  	_ =	swait.ge [sflag:s18], $0x4000  }
0x3e: {  	[sflag:s18] =	ssyncset.done $0x0  }
0x3f: {  	s20 =	sadd.s32 $0x2C00, s20;
	[sflag:s18] =	ssyncadd.s32 $0xFFFFC000  }
0x40: {  	[spmem:s3] =	stream.indirect.scatter.add.f32 [tilespmem:s13], [sflag:$0x2], $0x80, s20, s17, $0xb8;
	[tilespmem:$0x1D000] =	vst v63  }
0x41: {  	_ =	swait.ge [sflag:s14], $0x4000  }
0x42: {  	[sflag:s14] =	ssyncset.done $0x0  }
0x43: {  	[sflag:s14] =	ssyncadd.s32 $0xFFFFC000  }
0x44: {  	[bflag:$0x0] =	sbarrier.arrive $0xFFFF  }
0x45: {  	[tilespmem:s13], [sflag:$0x2] =	stream.linear.gather [spmem:s8], $0x4000, $0x38;
	[tilespmem:$0x1D000] =	vst v63  }
0x46: {  	_ =	swait.ge [sflag:s14], $0x4000  }
.Ltmp3:
0x47: {  	[sflag:s14] =	ssyncset.done $0x0;
	(pc) =	sbr.rel @!p0 .LBB2_7-.Ltmp3, $4  }
0x48: {  	[sflag:s14] =	ssyncadd.s32 $0xFFFFC000  }
0x49: {  	[hbm4b:s12+s4] =	stream.linear.scatter [tilespmem:s13], [sflag:$0x2], $0x4000, $0x38;
	[tilespmem:$0x1D000] =	vst v63  }
0x4a: {  	s21 =	smov.u32 s8;
	_ =	swait.ge [sflag:s14], $0x4000  }
0x4b: {  	s22 =	smov.u32 s12;
	s20 =	sadd.s32 $0xFFFFFFFF, s7;
	[sflag:s14] =	ssyncset.done $0x0  }
.LBB2_6:
0x4c: {  	[sflag:s14] =	ssyncadd.s32 $0xFFFFC000;
	s21 =	sadd.s32 $0x4000, s21;
	s22 =	sadd.s32 $0x800, s22  }
0x4d: {  	[tilespmem:s13], [sflag:$0x2] =	stream.linear.gather [spmem:s21], $0x4000, $0x38;
	[tilespmem:$0x1D000] =	vst v63  }
0x4e: {  	p0 =	sne.s32 s20, $0x1;
	s20 =	sadd.s32 $0xFFFFFFFF, s20;
	_ =	swait.ge [sflag:s14], $0x4000  }
.Ltmp4:
0x4f: {  	[sflag:s14] =	ssyncset.done $0x0;
	(pc) =	sbr.rel @p0 .LBB2_6-.Ltmp4, $4  }
0x50: {  	[sflag:s14] =	ssyncadd.s32 $0xFFFFC000  }
0x51: {  	[hbm4b:s22+s4] =	stream.linear.scatter [tilespmem:s13], [sflag:$0x2], $0x4000, $0x38;
	[tilespmem:$0x1D000] =	vst v63  }
0x52: {  	_ =	swait.ge [sflag:s14], $0x4000  }
0x53: {  	[sflag:s14] =	ssyncset.done $0x0  }
.LBB2_7:
0x54: {  	s19 =	sadd.s32 $0x1, s19  }
0x55: {  	p0 =	sne.s32 s19, s11  }
.Ltmp5:
0x56: {  	_ = 	snop;
	(pc) =	sbr.rel @p0 .LBB2_1-.Ltmp5, $2  }
0x57: {  	_ =	sdelay $0x2  }
0x58: {  	[sflag:s14] =	ssyncadd.s32 $0xFFFFC000  }
0x59: {  	_ =	sfence.sel $0x180000  }
0x5a: {  	[bflag:$0x0] =	sbarrier.arrive $0xFFFF  }
0x5b: {  	p0 =	sne.s32 s0, $0x0;
	_ =	strace $0x90000047  }
0x5c: {  	s0 =	sadd.s32 @!p0 $0x100000, s2;
	[bflag:$0x2] =	sbarrier.arrive $0xFFFF  }
0x5d: {  	[sflag:s0] =	ssyncadd.tile.s32 @!p0 $0x1;
	_ =	shalt  }
.Lfunc_end2:
_tile_overlayer_lowered:
.L_overlay_start_2:
0x5e: {  	(tag) =	ssettag $0x2  }
0x5f: {  	s0 =	rddreg [dreg:$0x0];
	s2 =	stileid.u32  }
0x60: {  	s1 =	rddreg [dreg:$0x1];
	p0 =	sne.s32 s2, $0x0  }
0x61: {  	s3 =	rddreg [dreg:$0x2];
	[bflag:$0x3] =	sbarrier.arrive $0xFFFF;
	s2 =	simm.s32 @!p0 $0x1C02  }
0x62: {  	[timem:s3], [sflag:s2] =	dma.local @!p0 [hbm:s0], s1  }
0x63: {  	s0 =	simm.s32 @!p0 $0x2  }
0x64: {  	_ =	swait.ge @!p0 [sflag:s0], s1  }
0x65: {  	s1 =	ssub.s32 @!p0 $0x0, s1;
	[sflag:s0] =	ssyncset.done @!p0 $0x0  }
0x66: {  	[sflag:s0] =	ssyncadd.s32 @!p0 s1  }
0x67: {  	[bflag:$0x3] =	sbarrier.arrive $0xFFFF  }
0x68: {  	_ =	shalt  }

// kernel: kernel.9.cloned.1.call-start
scs
__scs_entry_jumppad:
0x0: {  	(pc) =	sbr.rel $0x88, $3  }
0x1: {  	(tag) =	ssettag $0x0;
	lr =	simm.s32 $0x1  }
0x2: {  	[smem:$0x3F9D] =	sst lr;
	_ =	strace $0xD0000000  }
0x3: {  	_ = 	snop  }
0x4: {  	_ = 	snop  }
0x5: {  	_ = 	snop  }
0x6: {  	_ = 	snop  }
0x7: {  	_ = 	snop  }
__scs_overlays_trampoline_lowered:
0x8: {  	[smem:$0x3FAC] =	sst s0  }
0x9: {  	[smem:$0x3FAD] =	sst s1  }
0xa: {  	[smem:$0x3FAE] =	sst s2  }
0xb: {  	[smem:$0x3FAF] =	sst s3  }
0xc: {  	[smem:$0x3FB0] =	sst s4  }
0xd: {  	[smem:$0x3FB1] =	sst s5  }
0xe: {  	[smem:$0x3FB2] =	sst s6  }
0xf: {  	[smem:$0x3FB3] =	sst s7  }
0x10: {  	[smem:$0x3FB4] =	sst s8  }
0x11: {  	[smem:$0x3FB5] =	sst s9;
	s0 =	simm.s32 @!p0 $0x0  }
0x12: {  	s1 =	sld [smem:$0x3F9B];
	s0 =	simm.s32 @p0 $0x1  }
0x13: {  	[smem:$0x3FB6] =	sst s0;
	s0 =	simm.s32 @!p1 $0x0  }
0x14: {  	s2 =	sld [smem:$0x3F9A];
	s0 =	simm.s32 @p1 $0x1  }
0x15: {  	[smem:$0x3FB7] =	sst s0;
	s0 =	simm.s32 @!p2 $0x0  }
0x16: {  	s3 =	sld [smem:$0x3FDB];
	s0 =	simm.s32 @p2 $0x1  }
0x17: {  	s4 =	simm.s32 $0x1BF5;
	[smem:$0x3FB9] =	sst s0  }
0x18: {  	s0 =	sld [smem:$0x3F9C];
	_ =	swait.ge [sflag:s4], $0x0  }
0x19: {  	s7 =	sld [smem:$0x3F9D]  }
0x1a: {  	s8 =	sadd.s32 $0xFFFFE003, lr  }
0x1b: {  	s9 =	sadd.s32 $0xFFFFFEF7, lr;
	s5 =	simm.s32 $0xFFFFFFFF;
	p2 =	slt.u32 s8, $0xFFFFF086  }
0x1c: {  	p1 =	slt.u32 s9, $0xF7A;
	s5 =	simm.s32 @!p2 $0x0  }
0x1d: {  	s5 =	simm.s32 @p1 $0x1;
	p0 =	seq.s32 s7, s2  }
0x1e: {  	s7 =	smul.u32 @!p0 $0xF7A, s2;
	p2 =	seq.s32 @!p0 s5, $0x0  }
0x1f: {  	s9 =	smul.u32 $0xF7A, s1;
	s8 =	simm.s32 @!p0 $0x1BF5;
	p2 =	por !p2, p0  }
0x20: {  	[sflag:s8] =	ssyncset.s32 @!p0 $0xFFFFF086;
	s6 =	sadd.s32 @!p0 s3, s7;
	s7 =	simm.s32 @!p0 $0x108  }
0x21: {  	s3 =	sadd.s32 s3, s9;
	s6 =	sadd.s32 @!p0 $0x88, s6;
	s7 =	simm.s32 @p2 $0x1082  }
0x22: {  	[simem:s7], [sflag:s8] =	dma.local @!p0 [hbm:s6], $0xF7A  }
0x23: {  	s9 =	sor.u32 $0xD0000000, s2;
	s6 =	simm.s32 $0x108;
	_ =	swait.ge @!p0 [sflag:s8], $0x0  }
0x24: {  	s3 =	sadd.s32 $0x88, s3;
	s6 =	simm.s32 @!p1 $0x1082;
	[sflag:s4] =	ssyncset.s32 $0xFFFFF086  }
0x25: {  	[simem:s6], [sflag:s4] =	dma.local [hbm:s3], $0xF7A  }
0x26: {  	[smem:$0x3F9D] =	sst s1;
	(tag) =	ssettag s2;
	_ =	strace s9  }
0x27: {  	s1 =	sld [smem:$0x3FAD]  }
0x28: {  	s2 =	sld [smem:$0x3FAE]  }
0x29: {  	s4 =	sld [smem:$0x3FB0]  }
0x2a: {  	p0 =	seq.s32 s5, $0x0;
	s5 =	sld [smem:$0x3FB1]  }
0x2b: {  	s6 =	sld [smem:$0x3FB2]  }
0x2c: {  	s7 =	sld [smem:$0x3FB3]  }
0x2d: {  	s3 =	simm.s32 $0x108;
	s8 =	sld [smem:$0x3FB4]  }
0x2e: {  	s3 =	simm.s32 @!p0 $0x1082;
	s9 =	sld [smem:$0x3FB5]  }
0x2f: {  	lr =	sadd.s32 s0, s3;
	s0 =	sld [smem:$0x3FAC]  }
0x30: {  	s3 =	sld [smem:$0x3FAF]  }
0x31: {  	[smem:$0x3FB8] =	sst s10  }
0x32: {  	s10 =	sld [smem:$0x3FB6];
	_ =	sdelay $0x3  }
0x33: {  	p0 =	seq.s32 s10, $0x1;
	s10 =	sld [smem:$0x3FB8];
	_ =	sdelay $0x3  }
0x34: {  	[smem:$0x3FB8] =	sst s10  }
0x35: {  	s10 =	sld [smem:$0x3FB7];
	_ =	sdelay $0x3  }
0x36: {  	p1 =	seq.s32 s10, $0x1;
	s10 =	sld [smem:$0x3FB8];
	_ =	sdelay $0x3  }
0x37: {  	[smem:$0x3FB8] =	sst s10  }
0x38: {  	s10 =	sld [smem:$0x3FB9]  }
0x39: {  	_ = 	snop;
	(pc) =	sbr.ind lr, $3  }
0x3a: {  	_ = 	snop  }
0x3b: {  	_ = 	snop  }
0x3c: {  	p2 =	seq.s32 s10, $0x1;
	s10 =	sld [smem:$0x3FB8]  }
0x3d: {  	_ =	shalt  }
0x3e: {  	_ =	shalt  }
0x3f: {  	_ =	shalt  }
0x40: {  	_ =	shalt  }
0x41: {  	_ =	shalt  }
0x42: {  	_ =	shalt  }
0x43: {  	_ =	shalt  }
0x44: {  	_ =	shalt  }
0x45: {  	_ =	shalt  }
0x46: {  	_ =	shalt  }
0x47: {  	_ =	shalt  }
0x48: {  	_ =	shalt  }
0x49: {  	_ =	shalt  }
0x4a: {  	_ =	shalt  }
0x4b: {  	_ =	shalt  }
0x4c: {  	_ =	shalt  }
0x4d: {  	_ =	shalt  }
0x4e: {  	_ =	shalt  }
0x4f: {  	_ =	shalt  }
0x50: {  	_ =	shalt  }
0x51: {  	_ =	shalt  }
0x52: {  	_ =	shalt  }
0x53: {  	_ =	shalt  }
0x54: {  	_ =	shalt  }
0x55: {  	_ =	shalt  }
0x56: {  	_ =	shalt  }
0x57: {  	_ =	shalt  }
0x58: {  	_ =	shalt  }
0x59: {  	_ =	shalt  }
0x5a: {  	_ =	shalt  }
0x5b: {  	_ =	shalt  }
0x5c: {  	_ =	shalt  }
0x5d: {  	_ =	shalt  }
0x5e: {  	_ =	shalt  }
0x5f: {  	_ =	shalt  }
0x60: {  	_ =	shalt  }
0x61: {  	_ =	shalt  }
0x62: {  	_ =	shalt  }
0x63: {  	_ =	shalt  }
0x64: {  	_ =	shalt  }
0x65: {  	_ =	shalt  }
0x66: {  	_ =	shalt  }
0x67: {  	_ =	shalt  }
0x68: {  	_ =	shalt  }
0x69: {  	_ =	shalt  }
0x6a: {  	_ =	shalt  }
0x6b: {  	_ =	shalt  }
0x6c: {  	_ =	shalt  }
0x6d: {  	_ =	shalt  }
0x6e: {  	_ =	shalt  }
0x6f: {  	_ =	shalt  }
0x70: {  	_ =	shalt  }
0x71: {  	_ =	shalt  }
0x72: {  	_ =	shalt  }
0x73: {  	_ =	shalt  }
0x74: {  	_ =	shalt  }
0x75: {  	_ =	shalt  }
0x76: {  	_ =	shalt  }
0x77: {  	_ =	shalt  }
0x78: {  	_ =	shalt  }
0x79: {  	_ =	shalt  }
0x7a: {  	_ =	shalt  }
0x7b: {  	_ =	shalt  }
0x7c: {  	_ =	shalt  }
0x7d: {  	_ =	shalt  }
0x7e: {  	_ =	shalt  }
0x7f: {  	_ =	shalt  }
0x80: {  	_ =	shalt  }
0x81: {  	_ =	shalt  }
0x82: {  	_ =	shalt  }
0x83: {  	_ =	shalt  }
0x84: {  	_ =	shalt  }
0x85: {  	_ =	shalt  }
0x86: {  	_ =	shalt  }
0x87: {  	_ =	shalt  }
.Lfunc_end0:
.L_simem_size_0:
called_computation.1_lowered:
.L_overlay_start_0:
0x88: {  	s2 =	sld [smem:$0x3FD9]  }
0x89: {  	s3 =	sld [smem:$0x3FFE];
	_ =	sdelay $0x1  }
0x8a: {  	s1 =	srdreg.scid  }
0x8b: {  	s0 =	sand.u32 $0x1, s1  }
0x8c: {  	s17 =	sshll.u32 s0, $0xA;
	s2 =	sadd.s32 s3, s2  }
0x8d: {  	s2 =	sadd.s32 s2, s17  }
0x8e: {  	[smem:$0x3FC4] =	sst s2  }
0x8f: {  	_ = 	snop  }
0x90: {  	(tm) =	ssettm $0x1  }
0x91: {  	s18 =	sld [smem:$0x3FFB];
	_ =	sdelay $0x3  }
0x92: {  	_ =	strace s18  }
0x93: {  	s2 =	sld [smem:$0x3FFC];
	_ =	sdelay $0x3  }
0x94: {  	_ =	strace s2  }
0x95: {  	s2 =	sld [smem:$0x3FFD];
	_ =	sdelay $0x3  }
0x96: {  	_ =	strace s2  }
0x97: {  	_ =	strace $0x8FFFFFFF  }
0x98: {  	s19 =	sld [smem:$0x3FDB];
	_ =	sdelay $0x1  }
0x99: {  	s20 =	simm.s32 $_scs_section_size  }
0x9a: {  	s4 =	simm.s32 $_size__tile_overlayer_lowered;
	s5 =	simm.s32 $_tile_overlayer_lowered  }
0x9b: {  	s6 =	simm.s32 $0x1BFF;
	s21 =	sshll.u32 s5, $0x1;
	s3 =	sadd.s32 s20, s19  }
0x9c: {  	s22 =	simm.s32 $0x0;
	s4 =	sshll.u32 s4, $0x1;
	s5 =	sadd.s32 s21, s3  }
0x9d: {  	[timem:s22], [sflag:s6] =	dma.local [hbm:s5], s4  }
0x9e: {  	_ =	swait.ge [sflag:s6], s4  }
0x9f: {  	s4 =	ssub.s32 $0x0, s4;
	[sflag:s6] =	ssyncset.done $0x0  }
0xa0: {  	[sflag:s6] =	ssyncadd.s32 s4;
	_ =	sdelay $0x1  }
0xa1: {  	s23 =	simm.s32 $0x1B8B  }
0xa2: {  	_ =	swait.ge [sflag:s23], $0x1  }
0xa3: {  	[sflag:s23] =	ssyncset.done $0x0  }
0xa4: {  	[sflag:s23] =	ssyncadd.s32 $0xFFFFFFFF  }
0xa5: {  	s4 =	sld [smem:$0x0]  }
0xa6: {  	s5 =	sand.u32 $0xFFFFFFFE, s1  }
0xa7: {  	p0 =	sne.s32 s1, s5  }
0xa8: {  	s5 =	sshll.u32 @p0 s5, $0xE  }
0xa9: {  	s5 =	sadd.s32 @p0 $0x11B8D, s5;
	s6 =	sshll.u32 @p0 s4, $0x11  }
0xaa: {  	s5 =	sor.u32 @p0 s6, s5  }
0xab: {  	[sflag:s5] =	ssyncadd.remote.s32 @p0 $0x1;
	_ =	sdelay $0x1  }
0xac: {  	s5 =	simm.s32 @p0 $0x1B8D  }
0xad: {  	_ =	swait.eq @p0 [sflag:s5], $0x1  }
0xae: {  	[sflag:s5] =	ssyncadd.s32 @p0 $0xFFFFFFFF  }
0xaf: {  	s6 =	sshll.u32 @!p0 s1, $0xE  }
0xb0: {  	s6 =	sor.u32 @!p0 $0x4000, s6;
	s5 =	simm.s32 @!p0 $0x1B8D  }
0xb1: {  	s4 =	sshll.u32 @!p0 s4, $0x11;
	s6 =	sadd.s32 @!p0 $0x11B8D, s6;
	_ =	swait.eq @!p0 [sflag:s5], $0x1  }
0xb2: {  	s4 =	sor.u32 @!p0 s4, s6;
	[sflag:s5] =	ssyncadd.s32 @!p0 $0xFFFFFFFF  }
0xb3: {  	s25 =	simm.s32 $0x1B8E;
	s24 =	sld [smem:$0x3FFE];
	[sflag:s4] =	ssyncadd.remote.s32 @!p0 $0x1  }
0xb4: {  	s26 =	simm.s32 $execute0_lowered;
	[smem:$0x3FD2] =	sst s25  }
0xb5: {  	s5 =	sshll.u32 s26, $0x1;
	_ =	strace $0x80000049;
	[dreg:$0x1] =	wrdreg $0xFFFFFFFF  }
0xb6: {  	s28 =	simm.s32 $_size_execute0_lowered;
	s3 =	sadd.s32 s3, s5;
	[dreg:$0x0] =	wrdreg $0x0  }
0xb7: {  	s5 =	sshll.u32 s28, $0x1;
	[dreg:$0x2] =	wrdreg s3  }
0xb8: {  	[dreg:$0x3] =	wrdreg s5  }
0xb9: {  	[dreg:$0x4] =	wrdreg $0xC0  }
0xba: {  	_ =	task [dreg:s22], $0x5FFFF  }
0xbb: {  	[dreg:$0x1] =	wrdreg $0xFFFFFFFF  }
0xbc: {  	[dreg:$0x0] =	wrdreg $0x60  }
0xbd: {  	[dreg:$0x2] =	wrdreg s24  }
0xbe: {  	[dreg:$0x3] =	wrdreg $0x94000  }
0xbf: {  	[dreg:$0x4] =	wrdreg $0xA  }
0xc0: {  	_ =	task.clear_ibuf [dreg:s22], $0x5FFFF;
	_ =	strace $0x90000049  }
0xc1: {  	s29 =	simm.s32 $0xA;
	_ =	strace $0x8000004B  }
0xc2: {  	_ =	swait.ge [sflag:s29], $0x1  }
0xc3: {  	[sflag:s29] =	ssyncadd.s32 $0xFFFFFFFF  }
0xc4: {  	_ =	strace $0x9000004B  }
0xc5: {  	_ =	sfence  }
0xc6: {  	s30 =	sld [smem:$0x0];
	_ =	sdelay $0x2  }
0xc7: {  	s31 =	sshll.u32 s1, $0xD;
	s1 =	sshrl.u32 s1, $0x2  }
0xc8: {  	s4 =	sand.u32 $0x4000, s31;
	s1 =	sadd.s32 s1, s30  }
0xc9: {  	s0 =	sor.u32 s4, s0;
	s1 =	sshll.u32 s1, $0x11  }
0xca: {  	s0 =	sor.u32 s1, s0  }
0xcb: {  	s0 =	sadd.s32 $0x8F2B, s0  }
0xcc: {  	[sflag:s0] =	ssyncadd.remote.s32 $0x1  }
0xcd: {  	_ =	sfence.sel $0xFFFF  }
0xce: {  	[dreg:$0x0] =	wrdreg $0xFFFFFFFF;
	(pc) =	sbr.abs _section_cstart, $3  }
0xcf: {  	[dreg:$0x1] =	wrdreg $0xFFFFFFFF  }
0xd0: {  	_ =	task.clear_ibuf [dreg:s22], $0x2FFFF;
	_ =	strace $0x9FFFFFFF  }
0xd1: {  	(tm) =	ssettm $0x7FFFFFFF  }
tec
execute0_lowered:
.L_overlay_start_1:
0x0: {  	(tag) =	ssettag $0x1  }
0x1: {  	s6 =	rddreg [dreg:$0x0]  }
0x2: {  	s0 =	srdreg.scid;
	s2 =	rddreg [dreg:$0x1]  }
0x3: {  	s1 =	stileid.u32;
	s3 =	simm.s32 $0x0;
	s12 =	simm.s32 $0x1  }
0x4: {  	s13 =	simm.s32 $0x1400;
	s14 =	simm.s32 $0x80;
	s15 =	simm.s32 $0x0  }
0x5: {  	s4 =	sand.u32 $0x1, s0;
	s0 =	rddreg [dreg:$0x2];
	s30 =	smul.u32 $0x50000, s1  }
0x6: {  	[smem:$0x7FF] =	sst s3;
	p0 =	seq.s32 s1, $0xF;
	s31 =	smul.u32 $0x2800, s1  }
0x7: {  	s5 =	sshll.u32 s4, $0x4;
	_ =	strace $0x8000004A;
	s8 =	smul.u32 $0x27800, s4  }
0x8: {  	s9 =	ssub.s32 $0x2, s4;
	s4 =	sadd.s32 $0x10200, s6;
	s5 =	sor.u32 s1, s5  }
0x9: {  	s10 =	sshrl.u32 s9, $0x1;
	s11 =	sadd.s32 s8, s6;
	s8 =	sshrl.u32 s30, $0x2  }
0xa: {  	s5 =	smul.u32 $0x280, s5;
	s9 =	ssub.s32 s9, s10;
	s8 =	sadd.s32 s8, s2  }
0xb: {  	s9 =	smax.u32 s9, $0x1;
	s10 =	sadd.s32 s31, s11;
	s11 =	simm.s32 $0x5400  }
0xc: {  	s7 =	sadd.s32 s5, s6;
	s5 =	sadd.s32 $0x5FC00, s6;
	s6 =	simm.s32 $0x4  }
0xd: {  	s10 =	sadd.s32 $0x60400, s10;
	s6 =	simm.s32 @!p0 $0x5;
	s7 =	sadd.s32 $0xB200, s7  }
.LBB2_1:
0xe: {  	[tilespmem:s11], [sflag:$0x1] =	stream.linear.gather [hbm4b:s4+s3], $0x4000, $0x38;
	[tilespmem:$0x1D000] =	vst v63  }
0xf: {  	_ =	swait.ge [sflag:s12], $0x4000  }
0x10: {  	[sflag:s12] =	ssyncset.done $0x0  }
0x11: {  	[sflag:s12] =	ssyncadd.s32 $0xFFFFC000  }
0x12: {  	[tilespmem:s13], [sflag:$0x1] =	stream.linear.gather [hbm4b:s5+s3], $0x4000, $0x38;
	[tilespmem:$0x1D000] =	vst v63  }
0x13: {  	_ =	swait.ge [sflag:s12], $0x4000  }
0x14: {  	[sflag:s12] =	ssyncset.done $0x0  }
0x15: {  	[sflag:s12] =	ssyncadd.s32 $0xFFFFC000  }
0x16: {  	[tilespmem:s3], [sflag:$0x1] =	stream.linear.gather [hbm4b:s7+s3], $0x1400, $0x38;
	[tilespmem:$0x1D000] =	vst v63  }
0x17: {  	p0 =	sne.s32 s6, $0x1;
	_ =	swait.ge [sflag:s12], $0x1400  }
.Ltmp0:
0x18: {  	[sflag:s12] =	ssyncset.done $0x0;
	(pc) =	sbr.rel @!p0 .LBB2_3-.Ltmp0, $4  }
0x19: {  	[sflag:s12] =	ssyncadd.s32 $0xFFFFEC00  }
0x1a: {  	[spmem:s8] =	stream.linear.scatter [tilespmem:s11], [sflag:$0x1], $0x4000, $0x38;
	[tilespmem:$0x1D000] =	vst v63  }
0x1b: {  	_ =	swait.ge [sflag:s12], $0x4000  }
0x1c: {  	s16 =	sadd.s32 $0xFFFFFFFF, s6;
	s17 =	smov.u32 s8;
	[sflag:s12] =	ssyncset.done $0x0  }
.LBB2_2:
0x1d: {  	p1 =	sne.s32 s16, $0x1;
	[sflag:s12] =	ssyncadd.s32 $0xFFFFC000;
	s17 =	sadd.s32 $0x4000, s17  }
.Ltmp1:
0x1e: {  	s16 =	sadd.s32 $0xFFFFFFFF, s16;
	(pc) =	sbr.rel @p1 .LBB2_2-.Ltmp1, $4  }
0x1f: {  	_ = 	snop  }
0x20: {  	[spmem:s17] =	stream.linear.scatter [tilespmem:s11], [sflag:$0x1], $0x4000, $0x38;
	[tilespmem:$0x1D000] =	vst v63  }
0x21: {  	_ =	swait.ge [sflag:s12], $0x4000  }
0x22: {  	[sflag:s12] =	ssyncset.done $0x0  }
.LBB2_3:
0x23: {  	[sflag:s12] =	ssyncadd.s32 $0xFFFFC000  }
0x24: {  	s16 =	simm.s32 $0x0;
	[bflag:$0x0] =	sbarrier.arrive $0xFFFF  }
0x25: {  	[spmem:s2] =	stream.indirect.scatter.add.f32 [tilespmem:s13], [sflag:$0x1], $0x80, s16, s14, $0xb8;
	[tilespmem:$0x1D000] =	vst v63  }
0x26: {  	_ =	swait.ge [sflag:s12], $0x4000  }
0x27: {  	s16 =	simm.s32 $0x200;
	[sflag:s12] =	ssyncset.done $0x0  }
.LBB2_4:
0x28: {  	s17 =	sshra.s32 s16, $0x2;
	[sflag:s12] =	ssyncadd.s32 $0xFFFFC000;
	p1 =	sne.s32 s16, $0x4E00  }
0x29: {  	[spmem:s2] =	stream.indirect.scatter.add.f32 [tilespmem:s13], [sflag:$0x1], $0x80, s17, s14, $0xb8;
	[tilespmem:$0x1D000] =	vst v63  }
.Ltmp2:
0x2a: {  	_ = 	snop;
	(pc) =	sbr.rel @p1 .LBB2_4-.Ltmp2, $4  }
0x2b: {  	_ = 	snop  }
0x2c: {  	s16 =	sadd.s32 $0x200, s16  }
0x2d: {  	_ =	swait.ge [sflag:s12], $0x4000  }
0x2e: {  	[sflag:s12] =	ssyncset.done $0x0  }
0x2f: {  	[sflag:s12] =	ssyncadd.s32 $0xFFFFC000  }
0x30: {  	[bflag:$0x0] =	sbarrier.arrive $0xFFFF  }
0x31: {  	[tilespmem:s11], [sflag:$0x1] =	stream.linear.gather [spmem:s8], $0x4000, $0x38;
	[tilespmem:$0x1D000] =	vst v63  }
0x32: {  	_ =	swait.ge [sflag:s12], $0x4000  }
.Ltmp3:
0x33: {  	[sflag:s12] =	ssyncset.done $0x0;
	(pc) =	sbr.rel @!p0 .LBB2_7-.Ltmp3, $4  }
0x34: {  	[sflag:s12] =	ssyncadd.s32 $0xFFFFC000  }
0x35: {  	[hbm4b:s10+s3] =	stream.linear.scatter [tilespmem:s11], [sflag:$0x1], $0x4000, $0x38;
	[tilespmem:$0x1D000] =	vst v63  }
0x36: {  	s16 =	sadd.s32 $0xFFFFFFFF, s6;
	_ =	swait.ge [sflag:s12], $0x4000  }
0x37: {  	s17 =	smov.u32 s8;
	s18 =	smov.u32 s10;
	[sflag:s12] =	ssyncset.done $0x0  }
.LBB2_6:
0x38: {  	[sflag:s12] =	ssyncadd.s32 $0xFFFFC000;
	s17 =	sadd.s32 $0x4000, s17;
	s18 =	sadd.s32 $0x800, s18  }
0x39: {  	[tilespmem:s11], [sflag:$0x1] =	stream.linear.gather [spmem:s17], $0x4000, $0x38;
	[tilespmem:$0x1D000] =	vst v63  }
0x3a: {  	p0 =	sne.s32 s16, $0x1;
	s16 =	sadd.s32 $0xFFFFFFFF, s16;
	_ =	swait.ge [sflag:s12], $0x4000  }
.Ltmp4:
0x3b: {  	[sflag:s12] =	ssyncset.done $0x0;
	(pc) =	sbr.rel @p0 .LBB2_6-.Ltmp4, $4  }
0x3c: {  	[sflag:s12] =	ssyncadd.s32 $0xFFFFC000  }
0x3d: {  	[hbm4b:s18+s3] =	stream.linear.scatter [tilespmem:s11], [sflag:$0x1], $0x4000, $0x38;
	[tilespmem:$0x1D000] =	vst v63  }
0x3e: {  	_ =	swait.ge [sflag:s12], $0x4000  }
0x3f: {  	[sflag:s12] =	ssyncset.done $0x0  }
.LBB2_7:
0x40: {  	s15 =	sadd.s32 $0x1, s15  }
0x41: {  	p0 =	sne.s32 s15, s9  }
.Ltmp5:
0x42: {  	_ = 	snop;
	(pc) =	sbr.rel @p0 .LBB2_1-.Ltmp5, $2  }
0x43: {  	_ =	sdelay $0x2  }
0x44: {  	[sflag:s12] =	ssyncadd.s32 $0xFFFFC000  }
0x45: {  	_ =	sfence.sel $0x180000  }
0x46: {  	[bflag:$0x0] =	sbarrier.arrive $0xFFFF  }
0x47: {  	p0 =	sne.s32 s1, $0x0;
	_ =	strace $0x9000004A  }
0x48: {  	s0 =	sadd.s32 @!p0 $0x100000, s0;
	[bflag:$0x2] =	sbarrier.arrive $0xFFFF  }
0x49: {  	[sflag:s0] =	ssyncadd.tile.s32 @!p0 $0x1;
	_ =	shalt  }
.Lfunc_end2:
_tile_overlayer_lowered:
.L_overlay_start_2:
0x4a: {  	(tag) =	ssettag $0x2  }
0x4b: {  	s0 =	rddreg [dreg:$0x0];
	s2 =	stileid.u32  }
0x4c: {  	s1 =	rddreg [dreg:$0x1];
	p0 =	sne.s32 s2, $0x0  }
0x4d: {  	s3 =	rddreg [dreg:$0x2];
	[bflag:$0x3] =	sbarrier.arrive $0xFFFF;
	s2 =	simm.s32 @!p0 $0x1C01  }
0x4e: {  	[timem:s3], [sflag:s2] =	dma.local @!p0 [hbm:s0], s1  }
0x4f: {  	s0 =	simm.s32 @!p0 $0x1  }
0x50: {  	_ =	swait.ge @!p0 [sflag:s0], s1  }
0x51: {  	s1 =	ssub.s32 @!p0 $0x0, s1;
	[sflag:s0] =	ssyncset.done @!p0 $0x0  }
0x52: {  	[sflag:s0] =	ssyncadd.s32 @!p0 s1  }
0x53: {  	[bflag:$0x3] =	sbarrier.arrive $0xFFFF  }
0x54: {  	_ =	shalt  }

</sc_bundles>
